<compile_context>
chip_gen: v7x
topology: tpu7x:2x2x1
jax: 0.10.2.dev20260603
libtpu: 0.0.44.dev20260713+nightly
codegen_flags: <defaults>
</compile_context>

<pallas_src>
import jax
import jax.numpy as jnp
from jax import lax
from jax.experimental import pallas as pl
from jax.experimental.pallas import tpu as pltpu
from jax.experimental.pallas import tpu_sc as plsc

B = 4096
L = 1000
E = 8

SC_B = 512
NC = 2
NS = 16
NW = NC * NS
RPW = SC_B // NW
G = 16
NGRP = RPW // G
ES = 4

BB = 256
TC_B = B - SC_B


def _sc_oracle(labels_hbm, *refs):
    logits_hbm = refs[:E]
    out_hbm = refs[E]
    labels_v = refs[E + 1]
    x_v = refs[E + 2]
    row_v = refs[E + 3]
    sem = refs[E + 4]

    wid = lax.axis_index("s") * NC + lax.axis_index("c")
    base = wid * RPW
    pltpu.sync_copy(labels_hbm.at[pl.ds(base, RPW)], labels_v)

    lane = lax.iota(jnp.int32, G)
    esplat = [jnp.full((G,), s, jnp.int32) for s in range(ES)]
    ninf = jnp.full((G,), -jnp.inf, jnp.float32)

    def group_body(g, carry):
        r0 = base + g * G
        lab = labels_v[pl.ds(g * G, G)]

        first_correct = jnp.full((G,), E, jnp.int32)
        fallback = jnp.zeros((G,), jnp.int32)
        best_ll = ninf
        prev_cur = jnp.full((G,), -1, jnp.int32)
        for stage in range(E // ES):
            e0 = stage * ES
            for s in range(ES):
                pltpu.make_async_copy(
                    logits_hbm[e0 + s].at[pl.ds(r0, G)], x_v.at[s],
                    sem).start()
            for s in range(ES):
                pltpu.make_async_copy(
                    logits_hbm[e0 + s].at[pl.ds(r0, G)], x_v.at[s],
                    sem).wait()

            init = (ninf,) * ES + ((jnp.zeros((G,), jnp.int32)),) * ES

            @plsc.parallel_loop(0, L, unroll=8, carry=init)
            def col_loop(l, c):
                colv = jnp.zeros((G,), jnp.int32) + l
                ms = list(c[:ES])
                mis = list(c[ES:])
                for s in range(ES):
                    v = plsc.load_gather(x_v, [esplat[s], lane, colv])
                    gt = v > ms[s]
                    ms[s] = jnp.where(gt, v, ms[s])
                    mis[s] = jnp.where(gt, colv, mis[s])
                return tuple(ms) + tuple(mis)

            res = col_loop
            mis = res[ES:]

            for s in range(ES):
                e = e0 + s
                ll = plsc.load_gather(x_v, [esplat[s], lane, lab])
                correct = mis[s] == lab
                first_correct = jnp.where(
                    (first_correct == E) & correct, e, first_correct)
                take = ll > best_ll
                fallback = jnp.where(take, e, fallback)
                best_ll = jnp.where(take, ll, best_ll)

            cur = jnp.where(first_correct < E, first_correct, fallback)
            upd = cur != prev_cur
            prev_cur = cur
            idx0 = jnp.maximum(cur - e0, 0)

            @plsc.parallel_loop(0, L, unroll=8)
            def out_loop(l):
                colv = jnp.zeros((G,), jnp.int32) + l
                v = plsc.load_gather(x_v, [idx0, lane, colv])
                plsc.store_scatter(row_v, [lane, colv], v, mask=upd)

        pltpu.sync_copy(row_v, out_hbm.at[pl.ds(r0, G)])
        return carry

    lax.fori_loop(0, NGRP, group_body, 0)


_sc_mesh = plsc.VectorSubcoreMesh(
    core_axis_name="c", subcore_axis_name="s", num_cores=NC, num_subcores=NS)

_sc_call = pl.kernel(
    _sc_oracle,
    out_type=jax.ShapeDtypeStruct((SC_B, L), jnp.float32),
    mesh=_sc_mesh,
    scratch_types=[
        pltpu.VMEM((RPW,), jnp.int32),
        pltpu.VMEM((ES, G, L), jnp.float32),
        pltpu.VMEM((G, L), jnp.float32),
        pltpu.SemaphoreType.DMA,
    ],
    compiler_params=pltpu.CompilerParams(needs_layout_passes=False),
)


def _tc_oracle_block(labels_ref, *refs):
    logits_refs = refs[:E]
    out_ref = refs[E]
    labels = labels_ref[...]
    iota = jax.lax.broadcasted_iota(jnp.int32, (BB, L), 1)
    lab_eq = iota == labels
    pre = iota < labels
    ninf = jnp.float32(-jnp.inf)

    first_correct = jnp.full((BB, 1), E, dtype=jnp.int32)
    fallback = jnp.full((BB, 1), 0, dtype=jnp.int32)
    best_ll = jnp.full((BB, 1), ninf, dtype=jnp.float32)
    for e in range(E):
        x = logits_refs[e][...]
        m = jnp.max(x, axis=1, keepdims=True)
        ll = jnp.max(jnp.where(lab_eq, x, ninf), axis=1, keepdims=True)
        pm = jnp.max(jnp.where(pre, x, ninf), axis=1, keepdims=True)
        correct = (ll >= m) & (pm < m)
        first_correct = jnp.where(
            (first_correct == E) & correct, e, first_correct)
        take = ll > best_ll
        fallback = jnp.where(take, e, fallback)
        best_ll = jnp.where(take, ll, best_ll)
    best = jnp.where(first_correct < E, first_correct, fallback)

    out = logits_refs[0][...]
    for e in range(1, E):
        out = jnp.where(best == e, logits_refs[e][...], out)
    out_ref[...] = out


def _tc_call(labels2, *logits):
    off = SC_B // BB
    logit_spec = pl.BlockSpec((BB, L), lambda i: (i + off, 0))
    return pl.pallas_call(
        _tc_oracle_block,
        grid=(TC_B // BB,),
        in_specs=[pl.BlockSpec((BB, 1), lambda i: (i + off, 0))]
        + [logit_spec] * E,
        out_specs=pl.BlockSpec((BB, L), lambda i: (i, 0)),
        out_shape=jax.ShapeDtypeStruct((TC_B, L), jnp.float32),
        compiler_params=pltpu.CompilerParams(
            dimension_semantics=("arbitrary",),
        ),
    )(labels2, *logits)


@jax.jit
def kernel(labels, logits_0, logits_1, logits_2, logits_3, logits_4,
           logits_5, logits_6, logits_7):
    logits = (logits_0, logits_1, logits_2, logits_3, logits_4, logits_5,
              logits_6, logits_7)
    labels_i = labels.astype(jnp.int32)
    sc_out = _sc_call(labels_i, *logits)
    tc_out = _tc_call(labels_i.reshape(B, 1), *logits)
    return jnp.concatenate([sc_out, tc_out], axis=0)

# --- scband reference (transcript-rebuilt; emitter-appended) ---
"""Pipeline reference for scband-oracle-layer-58918361367154 (READ-ONLY COPY).

The authoritative reference and input builder live on the scoring server;
editing this copy changes nothing except your own understanding.
"""

import jax, jax.numpy as jnp
import numpy as np

B = 4096
L = 1000
E = 8

def setup_inputs(seed: int = 0) -> dict:
    key = jax.random.key(seed)
    ks = jax.random.split(key, E + 1)
    inp = {"labels": jax.random.randint(ks[0], (B,), 0, L)}
    for i in range(E):
        inp[f"logits_{i}"] = jax.random.normal(ks[i + 1], (B, L), dtype=jnp.float32)
    return inp

def reference(labels, logits_0, logits_1, logits_2, logits_3, logits_4, logits_5, logits_6, logits_7):
    logits = (logits_0, logits_1, logits_2, logits_3, logits_4, logits_5, logits_6, logits_7)
    # stacked_logits: (batch, num_labels, num_experts)
    stacked_logits = jnp.stack(logits, axis=2)
    # per-expert predicted class: (batch, num_experts)
    predictions = jnp.argmax(stacked_logits, axis=1)
    correct_predictions = (predictions == labels[:, None])
    has_correct = jnp.any(correct_predictions, axis=1)
    # first expert with a correct prediction (argmax returns first True)
    first_correct = jnp.argmax(correct_predictions.astype(jnp.float32), axis=1)
    # fallback: expert with highest logit at the true label
    bsz = labels.shape[0]
    label_logits = stacked_logits[jnp.arange(bsz), labels, :]  # (batch, num_experts)
    fallback = jnp.argmax(label_logits, axis=1)
    best_expert = jnp.where(has_correct, first_correct, fallback)
    # gather the selected expert's full logit row per batch element
    effective_logits = jnp.take_along_axis(stacked_logits, best_expert[:, None, None], axis=2)[:, :, 0]
    return effective_logits

if __name__ == "__main__":
    import jax
    _d = setup_inputs()
    print(jax.jit(kernel)(*tuple(_d.values())))

</pallas_src>

<mosaic_0001>
#map = affine_map<(d0, d1) -> (0)>
#map1 = affine_map<(d0, d1) -> (0, 0)>
module attributes {stable_mosaic.version = 14 : i64} {
  func.func @_sc_oracle(%arg0: i32, %arg1: i32, %arg2: memref<4096xi32, #tpu.memory_space<hbm>>, %arg3: memref<4096x1000xf32, #tpu.memory_space<hbm>>, %arg4: memref<4096x1000xf32, #tpu.memory_space<hbm>>, %arg5: memref<4096x1000xf32, #tpu.memory_space<hbm>>, %arg6: memref<4096x1000xf32, #tpu.memory_space<hbm>>, %arg7: memref<4096x1000xf32, #tpu.memory_space<hbm>>, %arg8: memref<4096x1000xf32, #tpu.memory_space<hbm>>, %arg9: memref<4096x1000xf32, #tpu.memory_space<hbm>>, %arg10: memref<4096x1000xf32, #tpu.memory_space<hbm>>, %arg11: memref<512x1000xf32, #tpu.memory_space<hbm>>, %arg12: memref<16xi32, #tpu.memory_space<vmem>>, %arg13: memref<4x16x1000xf32, #tpu.memory_space<vmem>>, %arg14: memref<16x1000xf32, #tpu.memory_space<vmem>>, %arg15: memref<!tpu.dma_semaphore, #tpu.memory_space<semaphore_mem>>) attributes {dimension_semantics = [#tpu.dimension_semantics<core_parallel>, #tpu.dimension_semantics<subcore_parallel>], iteration_bounds = array<i64: 2, 16>, scalar_prefetch = 0 : i64, scratch_operands = 4 : i64, tpu.core_type = #tpu.core_type<sc_vector_subcore>, window_params = [{transform_indices = #map}, {transform_indices = #map1}, {transform_indices = #map1}, {transform_indices = #map1}, {transform_indices = #map1}, {transform_indices = #map1}, {transform_indices = #map1}, {transform_indices = #map1}, {transform_indices = #map1}, {transform_indices = #map1}]} {
    %mul3A = arith.constant 2 : i32
    %mul3A_0 = arith.muli %arg1, %mul3A : i32
    %add3A = arith.addi %mul3A_0, %arg0 : i32
    %mul3A_1 = arith.constant 16 : i32
    %mul3A_2 = arith.muli %add3A, %mul3A_1 : i32
    "tpu.region"() ({
      %run_scoped3A = tpu.sem_alloc : memref<!tpu.dma_semaphore, #tpu.memory_space<semaphore_mem>>
      %dma_start3A_373 = tpu.memref_slice %arg2[%mul3A_2] : memref<4096xi32, #tpu.memory_space<hbm>> -> memref<16xi32, #tpu.memory_space<hbm>>
      %dma_start3A_374 = tpu.memref_slice %arg2[%mul3A_2] : memref<4096xi32, #tpu.memory_space<hbm>> -> memref<16xi32, #tpu.memory_space<hbm>>
      tpu.enqueue_dma source(%dma_start3A_374 : memref<16xi32, #tpu.memory_space<hbm>>) target(%arg12 : memref<16xi32, #tpu.memory_space<vmem>>) target_semaphore(%run_scoped3A : memref<!tpu.dma_semaphore, #tpu.memory_space<semaphore_mem>>)
      %dma_wait3A_375 = tpu.memref_slice %arg2[%mul3A_2] : memref<4096xi32, #tpu.memory_space<hbm>> -> memref<16xi32, #tpu.memory_space<hbm>>
      %dma_wait3A_376 = tpu.memref_slice %arg2[%mul3A_2] : memref<4096xi32, #tpu.memory_space<hbm>> -> memref<16xi32, #tpu.memory_space<hbm>>
      tpu.wait_dma2 semaphore(%run_scoped3A : memref<!tpu.dma_semaphore, #tpu.memory_space<semaphore_mem>>) src(%dma_wait3A_376 : memref<16xi32, #tpu.memory_space<hbm>>) dst(%arg12 : memref<16xi32, #tpu.memory_space<vmem>>)
      tpu.yield
    }) : () -> ()
    %iota3A = tpu.iota {dimensions = array<i32: 0>} : vector<16xi32>
    %broadcast_in_dim3A = arith.constant 0 : i32
    %broadcast_in_dim3A_3 = vector.broadcast %broadcast_in_dim3A : i32 to vector<16xi32>
    %broadcast_in_dim3A_4 = arith.constant 1 : i32
    %broadcast_in_dim3A_5 = vector.broadcast %broadcast_in_dim3A_4 : i32 to vector<16xi32>
    %broadcast_in_dim3A_6 = arith.constant 2 : i32
    %broadcast_in_dim3A_7 = vector.broadcast %broadcast_in_dim3A_6 : i32 to vector<16xi32>
    %broadcast_in_dim3A_8 = arith.constant 3 : i32
    %broadcast_in_dim3A_9 = vector.broadcast %broadcast_in_dim3A_8 : i32 to vector<16xi32>
    %broadcast_in_dim3A_10 = arith.constant 0xFF800000 : f32
    %broadcast_in_dim3A_11 = vector.broadcast %broadcast_in_dim3A_10 : f32 to vector<16xf32>
    %scan3A = arith.constant 0 : i32
    %scan3A_12 = arith.constant 0 : i32
    %mul3A_13 = arith.constant 16 : i32
    %mul3A_14 = arith.muli %scan3A_12, %mul3A_13 : i32
    %add3A_15 = arith.addi %mul3A_2, %mul3A_14 : i32
    %mul3A_16 = arith.constant 16 : i32
    %mul3A_17 = arith.muli %scan3A_12, %mul3A_16 : i32
    %get3A = arith.index_cast %mul3A_17 : i32 to index
    %get3A_18 = tpu.vector_load %arg12[%get3A] {strides = array<i32>} : memref<16xi32, #tpu.memory_space<vmem>>, vector<16xi32>,
    %broadcast_in_dim3A_19 = arith.constant 8 : i32
    %broadcast_in_dim3A_20 = vector.broadcast %broadcast_in_dim3A_19 : i32 to vector<16xi32>
    %broadcast_in_dim3A_21 = arith.constant 0 : i32
    %broadcast_in_dim3A_22 = vector.broadcast %broadcast_in_dim3A_21 : i32 to vector<16xi32>
    %broadcast_in_dim3A_23 = arith.constant -1 : i32
    %broadcast_in_dim3A_24 = vector.broadcast %broadcast_in_dim3A_23 : i32 to vector<16xi32>
    %dma_start3A = arith.constant 0 : i32
    %dma_start3A_25 = arith.constant 0 : i32
    %dma_start3A_26 = arith.constant 0 : i32
    %dma_start3A_27 = tpu.memref_slice %arg13[%dma_start3A, %dma_start3A_25, %dma_start3A_26] : memref<4x16x1000xf32, #tpu.memory_space<vmem>> -> memref<1x16x1000xf32, #tpu.memory_space<vmem>>
    %dma_start3A_28 = tpu.memref_squeeze %dma_start3A_27 : memref<1x16x1000xf32, #tpu.memory_space<vmem>> -> memref<16x1000xf32, #tpu.memory_space<vmem>>
    %dma_start3A_29 = arith.constant 0 : i32
    %dma_start3A_30 = tpu.memref_slice %arg3[%add3A_15, %dma_start3A_29] : memref<4096x1000xf32, #tpu.memory_space<hbm>> -> memref<16x1000xf32, #tpu.memory_space<hbm>>
    %dma_start3A_31 = arith.constant 0 : i32
    %dma_start3A_32 = arith.constant 0 : i32
    %dma_start3A_33 = tpu.memref_slice %arg13[%dma_start3A, %dma_start3A_31, %dma_start3A_32] : memref<4x16x1000xf32, #tpu.memory_space<vmem>> -> memref<1x16x1000xf32, #tpu.memory_space<vmem>>
    %dma_start3A_34 = tpu.memref_squeeze %dma_start3A_33 : memref<1x16x1000xf32, #tpu.memory_space<vmem>> -> memref<16x1000xf32, #tpu.memory_space<vmem>>
    %dma_start3A_35 = arith.constant 0 : i32
    %dma_start3A_36 = tpu.memref_slice %arg3[%add3A_15, %dma_start3A_35] : memref<4096x1000xf32, #tpu.memory_space<hbm>> -> memref<16x1000xf32, #tpu.memory_space<hbm>>
    tpu.enqueue_dma source(%dma_start3A_36 : memref<16x1000xf32, #tpu.memory_space<hbm>>) target(%dma_start3A_34 : memref<16x1000xf32, #tpu.memory_space<vmem>>) target_semaphore(%arg15 : memref<!tpu.dma_semaphore, #tpu.memory_space<semaphore_mem>>)
    %dma_start3A_37 = arith.constant 1 : i32
    %dma_start3A_38 = arith.constant 0 : i32
    %dma_start3A_39 = arith.constant 0 : i32
    %dma_start3A_40 = tpu.memref_slice %arg13[%dma_start3A_37, %dma_start3A_38, %dma_start3A_39] : memref<4x16x1000xf32, #tpu.memory_space<vmem>> -> memref<1x16x1000xf32, #tpu.memory_space<vmem>>
    %dma_start3A_41 = tpu.memref_squeeze %dma_start3A_40 : memref<1x16x1000xf32, #tpu.memory_space<vmem>> -> memref<16x1000xf32, #tpu.memory_space<vmem>>
    %dma_start3A_42 = arith.constant 0 : i32
    %dma_start3A_43 = tpu.memref_slice %arg4[%add3A_15, %dma_start3A_42] : memref<4096x1000xf32, #tpu.memory_space<hbm>> -> memref<16x1000xf32, #tpu.memory_space<hbm>>
    %dma_start3A_44 = arith.constant 0 : i32
    %dma_start3A_45 = arith.constant 0 : i32
    %dma_start3A_46 = tpu.memref_slice %arg13[%dma_start3A_37, %dma_start3A_44, %dma_start3A_45] : memref<4x16x1000xf32, #tpu.memory_space<vmem>> -> memref<1x16x1000xf32, #tpu.memory_space<vmem>>
    %dma_start3A_47 = tpu.memref_squeeze %dma_start3A_46 : memref<1x16x1000xf32, #tpu.memory_space<vmem>> -> memref<16x1000xf32, #tpu.memory_space<vmem>>
    %dma_start3A_48 = arith.constant 0 : i32
    %dma_start3A_49 = tpu.memref_slice %arg4[%add3A_15, %dma_start3A_48] : memref<4096x1000xf32, #tpu.memory_space<hbm>> -> memref<16x1000xf32, #tpu.memory_space<hbm>>
    tpu.enqueue_dma source(%dma_start3A_49 : memref<16x1000xf32, #tpu.memory_space<hbm>>) target(%dma_start3A_47 : memref<16x1000xf32, #tpu.memory_space<vmem>>) target_semaphore(%arg15 : memref<!tpu.dma_semaphore, #tpu.memory_space<semaphore_mem>>)
    %dma_start3A_50 = arith.constant 2 : i32
    %dma_start3A_51 = arith.constant 0 : i32
    %dma_start3A_52 = arith.constant 0 : i32
    %dma_start3A_53 = tpu.memref_slice %arg13[%dma_start3A_50, %dma_start3A_51, %dma_start3A_52] : memref<4x16x1000xf32, #tpu.memory_space<vmem>> -> memref<1x16x1000xf32, #tpu.memory_space<vmem>>
    %dma_start3A_54 = tpu.memref_squeeze %dma_start3A_53 : memref<1x16x1000xf32, #tpu.memory_space<vmem>> -> memref<16x1000xf32, #tpu.memory_space<vmem>>
    %dma_start3A_55 = arith.constant 0 : i32
    %dma_start3A_56 = tpu.memref_slice %arg5[%add3A_15, %dma_start3A_55] : memref<4096x1000xf32, #tpu.memory_space<hbm>> -> memref<16x1000xf32, #tpu.memory_space<hbm>>
    %dma_start3A_57 = arith.constant 0 : i32
    %dma_start3A_58 = arith.constant 0 : i32
    %dma_start3A_59 = tpu.memref_slice %arg13[%dma_start3A_50, %dma_start3A_57, %dma_start3A_58] : memref<4x16x1000xf32, #tpu.memory_space<vmem>> -> memref<1x16x1000xf32, #tpu.memory_space<vmem>>
    %dma_start3A_60 = tpu.memref_squeeze %dma_start3A_59 : memref<1x16x1000xf32, #tpu.memory_space<vmem>> -> memref<16x1000xf32, #tpu.memory_space<vmem>>
    %dma_start3A_61 = arith.constant 0 : i32
    %dma_start3A_62 = tpu.memref_slice %arg5[%add3A_15, %dma_start3A_61] : memref<4096x1000xf32, #tpu.memory_space<hbm>> -> memref<16x1000xf32, #tpu.memory_space<hbm>>
    tpu.enqueue_dma source(%dma_start3A_62 : memref<16x1000xf32, #tpu.memory_space<hbm>>) target(%dma_start3A_60 : memref<16x1000xf32, #tpu.memory_space<vmem>>) target_semaphore(%arg15 : memref<!tpu.dma_semaphore, #tpu.memory_space<semaphore_mem>>)
    %dma_start3A_63 = arith.constant 3 : i32
    %dma_start3A_64 = arith.constant 0 : i32
    %dma_start3A_65 = arith.constant 0 : i32
    %dma_start3A_66 = tpu.memref_slice %arg13[%dma_start3A_63, %dma_start3A_64, %dma_start3A_65] : memref<4x16x1000xf32, #tpu.memory_space<vmem>> -> memref<1x16x1000xf32, #tpu.memory_space<vmem>>
    %dma_start3A_67 = tpu.memref_squeeze %dma_start3A_66 : memref<1x16x1000xf32, #tpu.memory_space<vmem>> -> memref<16x1000xf32, #tpu.memory_space<vmem>>
    %dma_start3A_68 = arith.constant 0 : i32
    %dma_start3A_69 = tpu.memref_slice %arg6[%add3A_15, %dma_start3A_68] : memref<4096x1000xf32, #tpu.memory_space<hbm>> -> memref<16x1000xf32, #tpu.memory_space<hbm>>
    %dma_start3A_70 = arith.constant 0 : i32
    %dma_start3A_71 = arith.constant 0 : i32
    %dma_start3A_72 = tpu.memref_slice %arg13[%dma_start3A_63, %dma_start3A_70, %dma_start3A_71] : memref<4x16x1000xf32, #tpu.memory_space<vmem>> -> memref<1x16x1000xf32, #tpu.memory_space<vmem>>
    %dma_start3A_73 = tpu.memref_squeeze %dma_start3A_72 : memref<1x16x1000xf32, #tpu.memory_space<vmem>> -> memref<16x1000xf32, #tpu.memory_space<vmem>>
    %dma_start3A_74 = arith.constant 0 : i32
    %dma_start3A_75 = tpu.memref_slice %arg6[%add3A_15, %dma_start3A_74] : memref<4096x1000xf32, #tpu.memory_space<hbm>> -> memref<16x1000xf32, #tpu.memory_space<hbm>>
    tpu.enqueue_dma source(%dma_start3A_75 : memref<16x1000xf32, #tpu.memory_space<hbm>>) target(%dma_start3A_73 : memref<16x1000xf32, #tpu.memory_space<vmem>>) target_semaphore(%arg15 : memref<!tpu.dma_semaphore, #tpu.memory_space<semaphore_mem>>)
    %dma_wait3A = arith.constant 0 : i32
    %dma_wait3A_76 = arith.constant 0 : i32
    %dma_wait3A_77 = arith.constant 0 : i32
    %dma_wait3A_78 = tpu.memref_slice %arg13[%dma_wait3A, %dma_wait3A_76, %dma_wait3A_77] : memref<4x16x1000xf32, #tpu.memory_space<vmem>> -> memref<1x16x1000xf32, #tpu.memory_space<vmem>>
    %dma_wait3A_79 = tpu.memref_squeeze %dma_wait3A_78 : memref<1x16x1000xf32, #tpu.memory_space<vmem>> -> memref<16x1000xf32, #tpu.memory_space<vmem>>
    %dma_wait3A_80 = arith.constant 0 : i32
    %dma_wait3A_81 = tpu.memref_slice %arg3[%add3A_15, %dma_wait3A_80] : memref<4096x1000xf32, #tpu.memory_space<hbm>> -> memref<16x1000xf32, #tpu.memory_space<hbm>>
    %dma_wait3A_82 = arith.constant 0 : i32
    %dma_wait3A_83 = arith.constant 0 : i32
    %dma_wait3A_84 = tpu.memref_slice %arg13[%dma_wait3A, %dma_wait3A_82, %dma_wait3A_83] : memref<4x16x1000xf32, #tpu.memory_space<vmem>> -> memref<1x16x1000xf32, #tpu.memory_space<vmem>>
    %dma_wait3A_85 = tpu.memref_squeeze %dma_wait3A_84 : memref<1x16x1000xf32, #tpu.memory_space<vmem>> -> memref<16x1000xf32, #tpu.memory_space<vmem>>
    %dma_wait3A_86 = arith.constant 0 : i32
    %dma_wait3A_87 = tpu.memref_slice %arg3[%add3A_15, %dma_wait3A_86] : memref<4096x1000xf32, #tpu.memory_space<hbm>> -> memref<16x1000xf32, #tpu.memory_space<hbm>>
    tpu.wait_dma2 semaphore(%arg15 : memref<!tpu.dma_semaphore, #tpu.memory_space<semaphore_mem>>) src(%dma_wait3A_87 : memref<16x1000xf32, #tpu.memory_space<hbm>>) dst(%dma_wait3A_85 : memref<16x1000xf32, #tpu.memory_space<vmem>>)
    %dma_wait3A_88 = arith.constant 1 : i32
    %dma_wait3A_89 = arith.constant 0 : i32
    %dma_wait3A_90 = arith.constant 0 : i32
    %dma_wait3A_91 = tpu.memref_slice %arg13[%dma_wait3A_88, %dma_wait3A_89, %dma_wait3A_90] : memref<4x16x1000xf32, #tpu.memory_space<vmem>> -> memref<1x16x1000xf32, #tpu.memory_space<vmem>>
    %dma_wait3A_92 = tpu.memref_squeeze %dma_wait3A_91 : memref<1x16x1000xf32, #tpu.memory_space<vmem>> -> memref<16x1000xf32, #tpu.memory_space<vmem>>
    %dma_wait3A_93 = arith.constant 0 : i32
    %dma_wait3A_94 = tpu.memref_slice %arg4[%add3A_15, %dma_wait3A_93] : memref<4096x1000xf32, #tpu.memory_space<hbm>> -> memref<16x1000xf32, #tpu.memory_space<hbm>>
    %dma_wait3A_95 = arith.constant 0 : i32
    %dma_wait3A_96 = arith.constant 0 : i32
    %dma_wait3A_97 = tpu.memref_slice %arg13[%dma_wait3A_88, %dma_wait3A_95, %dma_wait3A_96] : memref<4x16x1000xf32, #tpu.memory_space<vmem>> -> memref<1x16x1000xf32, #tpu.memory_space<vmem>>
    %dma_wait3A_98 = tpu.memref_squeeze %dma_wait3A_97 : memref<1x16x1000xf32, #tpu.memory_space<vmem>> -> memref<16x1000xf32, #tpu.memory_space<vmem>>
    %dma_wait3A_99 = arith.constant 0 : i32
    %dma_wait3A_100 = tpu.memref_slice %arg4[%add3A_15, %dma_wait3A_99] : memref<4096x1000xf32, #tpu.memory_space<hbm>> -> memref<16x1000xf32, #tpu.memory_space<hbm>>
    tpu.wait_dma2 semaphore(%arg15 : memref<!tpu.dma_semaphore, #tpu.memory_space<semaphore_mem>>) src(%dma_wait3A_100 : memref<16x1000xf32, #tpu.memory_space<hbm>>) dst(%dma_wait3A_98 : memref<16x1000xf32, #tpu.memory_space<vmem>>)
    %dma_wait3A_101 = arith.constant 2 : i32
    %dma_wait3A_102 = arith.constant 0 : i32
    %dma_wait3A_103 = arith.constant 0 : i32
    %dma_wait3A_104 = tpu.memref_slice %arg13[%dma_wait3A_101, %dma_wait3A_102, %dma_wait3A_103] : memref<4x16x1000xf32, #tpu.memory_space<vmem>> -> memref<1x16x1000xf32, #tpu.memory_space<vmem>>
    %dma_wait3A_105 = tpu.memref_squeeze %dma_wait3A_104 : memref<1x16x1000xf32, #tpu.memory_space<vmem>> -> memref<16x1000xf32, #tpu.memory_space<vmem>>
    %dma_wait3A_106 = arith.constant 0 : i32
    %dma_wait3A_107 = tpu.memref_slice %arg5[%add3A_15, %dma_wait3A_106] : memref<4096x1000xf32, #tpu.memory_space<hbm>> -> memref<16x1000xf32, #tpu.memory_space<hbm>>
    %dma_wait3A_108 = arith.constant 0 : i32
    %dma_wait3A_109 = arith.constant 0 : i32
    %dma_wait3A_110 = tpu.memref_slice %arg13[%dma_wait3A_101, %dma_wait3A_108, %dma_wait3A_109] : memref<4x16x1000xf32, #tpu.memory_space<vmem>> -> memref<1x16x1000xf32, #tpu.memory_space<vmem>>
    %dma_wait3A_111 = tpu.memref_squeeze %dma_wait3A_110 : memref<1x16x1000xf32, #tpu.memory_space<vmem>> -> memref<16x1000xf32, #tpu.memory_space<vmem>>
    %dma_wait3A_112 = arith.constant 0 : i32
    %dma_wait3A_113 = tpu.memref_slice %arg5[%add3A_15, %dma_wait3A_112] : memref<4096x1000xf32, #tpu.memory_space<hbm>> -> memref<16x1000xf32, #tpu.memory_space<hbm>>
    tpu.wait_dma2 semaphore(%arg15 : memref<!tpu.dma_semaphore, #tpu.memory_space<semaphore_mem>>) src(%dma_wait3A_113 : memref<16x1000xf32, #tpu.memory_space<hbm>>) dst(%dma_wait3A_111 : memref<16x1000xf32, #tpu.memory_space<vmem>>)
    %dma_wait3A_114 = arith.constant 3 : i32
    %dma_wait3A_115 = arith.constant 0 : i32
    %dma_wait3A_116 = arith.constant 0 : i32
    %dma_wait3A_117 = tpu.memref_slice %arg13[%dma_wait3A_114, %dma_wait3A_115, %dma_wait3A_116] : memref<4x16x1000xf32, #tpu.memory_space<vmem>> -> memref<1x16x1000xf32, #tpu.memory_space<vmem>>
    %dma_wait3A_118 = tpu.memref_squeeze %dma_wait3A_117 : memref<1x16x1000xf32, #tpu.memory_space<vmem>> -> memref<16x1000xf32, #tpu.memory_space<vmem>>
    %dma_wait3A_119 = arith.constant 0 : i32
    %dma_wait3A_120 = tpu.memref_slice %arg6[%add3A_15, %dma_wait3A_119] : memref<4096x1000xf32, #tpu.memory_space<hbm>> -> memref<16x1000xf32, #tpu.memory_space<hbm>>
    %dma_wait3A_121 = arith.constant 0 : i32
    %dma_wait3A_122 = arith.constant 0 : i32
    %dma_wait3A_123 = tpu.memref_slice %arg13[%dma_wait3A_114, %dma_wait3A_121, %dma_wait3A_122] : memref<4x16x1000xf32, #tpu.memory_space<vmem>> -> memref<1x16x1000xf32, #tpu.memory_space<vmem>>
    %dma_wait3A_124 = tpu.memref_squeeze %dma_wait3A_123 : memref<1x16x1000xf32, #tpu.memory_space<vmem>> -> memref<16x1000xf32, #tpu.memory_space<vmem>>
    %dma_wait3A_125 = arith.constant 0 : i32
    %dma_wait3A_126 = tpu.memref_slice %arg6[%add3A_15, %dma_wait3A_125] : memref<4096x1000xf32, #tpu.memory_space<hbm>> -> memref<16x1000xf32, #tpu.memory_space<hbm>>
    tpu.wait_dma2 semaphore(%arg15 : memref<!tpu.dma_semaphore, #tpu.memory_space<semaphore_mem>>) src(%dma_wait3A_126 : memref<16x1000xf32, #tpu.memory_space<hbm>>) dst(%dma_wait3A_124 : memref<16x1000xf32, #tpu.memory_space<vmem>>)
    %broadcast_in_dim3A_127 = arith.constant 0 : i32
    %broadcast_in_dim3A_128 = vector.broadcast %broadcast_in_dim3A_127 : i32 to vector<16xi32>
    %parallel_loop3A = arith.constant 0 : i32
    %parallel_loop3A_129 = arith.constant 1000 : i32
    %parallel_loop3A_130 = arith.constant 1 : i32
    %parallel_loop3A_131:8 = scf.for %parallel_loop3A_373 = %parallel_loop3A to %parallel_loop3A_129 step %parallel_loop3A_130 iter_args(%parallel_loop3A_374 = %broadcast_in_dim3A_11, %parallel_loop3A_375 = %broadcast_in_dim3A_11, %parallel_loop3A_376 = %broadcast_in_dim3A_11, %parallel_loop3A_377 = %broadcast_in_dim3A_11, %parallel_loop3A_378 = %broadcast_in_dim3A_128, %parallel_loop3A_379 = %broadcast_in_dim3A_128, %parallel_loop3A_380 = %broadcast_in_dim3A_128, %parallel_loop3A_381 = %broadcast_in_dim3A_128) -> (vector<16xf32>, vector<16xf32>, vector<16xf32>, vector<16xf32>, vector<16xi32>, vector<16xi32>, vector<16xi32>, vector<16xi32>)  : i32 {
      %parallel_loop3A_382 = arith.constant 0 : i32
      %parallel_loop3A_383 = vector.broadcast %parallel_loop3A_382 : i32 to vector<16xi32>
      %parallel_loop3A_384 = vector.broadcast %parallel_loop3A_373 : i32 to vector<16xi32>
      %parallel_loop3A_385 = arith.addi %parallel_loop3A_383, %parallel_loop3A_384 : vector<16xi32>
      %parallel_loop3A_386 = tpu.vector_load_idx %arg13[%broadcast_in_dim3A_3, %iota3A, %parallel_loop3A_385] : memref<4x16x1000xf32, #tpu.memory_space<vmem>>[vector<16xi32>, vector<16xi32>, vector<16xi32>], vector<16xf32>,
      %parallel_loop3A_387 = arith.cmpf ogt, %parallel_loop3A_386, %parallel_loop3A_374 : vector<16xf32>
      %parallel_loop3A_388 = arith.select %parallel_loop3A_387, %parallel_loop3A_386, %parallel_loop3A_374 : vector<16xi1>, vector<16xf32>
      %parallel_loop3A_389 = arith.select %parallel_loop3A_387, %parallel_loop3A_385, %parallel_loop3A_378 : vector<16xi1>, vector<16xi32>
      %parallel_loop3A_390 = tpu.vector_load_idx %arg13[%broadcast_in_dim3A_5, %iota3A, %parallel_loop3A_385] : memref<4x16x1000xf32, #tpu.memory_space<vmem>>[vector<16xi32>, vector<16xi32>, vector<16xi32>], vector<16xf32>,
      %parallel_loop3A_391 = arith.cmpf ogt, %parallel_loop3A_390, %parallel_loop3A_375 : vector<16xf32>
      %parallel_loop3A_392 = arith.select %parallel_loop3A_391, %parallel_loop3A_390, %parallel_loop3A_375 : vector<16xi1>, vector<16xf32>
      %parallel_loop3A_393 = arith.select %parallel_loop3A_391, %parallel_loop3A_385, %parallel_loop3A_379 : vector<16xi1>, vector<16xi32>
      %parallel_loop3A_394 = tpu.vector_load_idx %arg13[%broadcast_in_dim3A_7, %iota3A, %parallel_loop3A_385] : memref<4x16x1000xf32, #tpu.memory_space<vmem>>[vector<16xi32>, vector<16xi32>, vector<16xi32>], vector<16xf32>,
      %parallel_loop3A_395 = arith.cmpf ogt, %parallel_loop3A_394, %parallel_loop3A_376 : vector<16xf32>
      %parallel_loop3A_396 = arith.select %parallel_loop3A_395, %parallel_loop3A_394, %parallel_loop3A_376 : vector<16xi1>, vector<16xf32>
      %parallel_loop3A_397 = arith.select %parallel_loop3A_395, %parallel_loop3A_385, %parallel_loop3A_380 : vector<16xi1>, vector<16xi32>
      %parallel_loop3A_398 = tpu.vector_load_idx %arg13[%broadcast_in_dim3A_9, %iota3A, %parallel_loop3A_385] : memref<4x16x1000xf32, #tpu.memory_space<vmem>>[vector<16xi32>, vector<16xi32>, vector<16xi32>], vector<16xf32>,
      %parallel_loop3A_399 = arith.cmpf ogt, %parallel_loop3A_398, %parallel_loop3A_377 : vector<16xf32>
      %parallel_loop3A_400 = arith.select %parallel_loop3A_399, %parallel_loop3A_398, %parallel_loop3A_377 : vector<16xi1>, vector<16xf32>
      %parallel_loop3A_401 = arith.select %parallel_loop3A_399, %parallel_loop3A_385, %parallel_loop3A_381 : vector<16xi1>, vector<16xi32>
      scf.yield %parallel_loop3A_388, %parallel_loop3A_392, %parallel_loop3A_396, %parallel_loop3A_400, %parallel_loop3A_389, %parallel_loop3A_393, %parallel_loop3A_397, %parallel_loop3A_401 : vector<16xf32>, vector<16xf32>, vector<16xf32>, vector<16xf32>, vector<16xi32>, vector<16xi32>, vector<16xi32>, vector<16xi32>
    } {sc.loop_unroll_factor = 8 : i64, sc.parallel_access}
    %gather3A = tpu.vector_load_idx %arg13[%broadcast_in_dim3A_3, %iota3A, %get3A_18] : memref<4x16x1000xf32, #tpu.memory_space<vmem>>[vector<16xi32>, vector<16xi32>, vector<16xi32>], vector<16xf32>,
    %eq3A = arith.cmpi eq, %parallel_loop3A_131#4, %get3A_18 : vector<16xi32>
    %eq3A_132 = arith.constant 8 : i32
    %eq3A_133 = vector.broadcast %eq3A_132 : i32 to vector<16xi32>
    %eq3A_134 = arith.cmpi eq, %broadcast_in_dim3A_20, %eq3A_133 : vector<16xi32>
    %and3A = arith.andi %eq3A_134, %eq3A : vector<16xi1>
    %jit3A = arith.constant 0 : i32
    %broadcast_in_dim3A_135 = vector.broadcast %jit3A : i32 to vector<16xi32>
    %select_n3A = arith.select %and3A, %broadcast_in_dim3A_135, %broadcast_in_dim3A_20 : vector<16xi1>, vector<16xi32>
    %gt3A = arith.cmpf ogt, %gather3A, %broadcast_in_dim3A_11 : vector<16xf32>
    %jit3A_136 = arith.constant 0 : i32
    %broadcast_in_dim3A_137 = vector.broadcast %jit3A_136 : i32 to vector<16xi32>
    %select_n3A_138 = arith.select %gt3A, %broadcast_in_dim3A_137, %broadcast_in_dim3A_22 : vector<16xi1>, vector<16xi32>
    %select_n3A_139 = arith.select %gt3A, %gather3A, %broadcast_in_dim3A_11 : vector<16xi1>, vector<16xf32>
    %gather3A_140 = tpu.vector_load_idx %arg13[%broadcast_in_dim3A_5, %iota3A, %get3A_18] : memref<4x16x1000xf32, #tpu.memory_space<vmem>>[vector<16xi32>, vector<16xi32>, vector<16xi32>], vector<16xf32>,
    %eq3A_141 = arith.cmpi eq, %parallel_loop3A_131#5, %get3A_18 : vector<16xi32>
    %eq3A_142 = arith.constant 8 : i32
    %eq3A_143 = vector.broadcast %eq3A_142 : i32 to vector<16xi32>
    %eq3A_144 = arith.cmpi eq, %select_n3A, %eq3A_143 : vector<16xi32>
    %and3A_145 = arith.andi %eq3A_144, %eq3A_141 : vector<16xi1>
    %jit3A_146 = arith.constant 1 : i32
    %broadcast_in_dim3A_147 = vector.broadcast %jit3A_146 : i32 to vector<16xi32>
    %select_n3A_148 = arith.select %and3A_145, %broadcast_in_dim3A_147, %select_n3A : vector<16xi1>, vector<16xi32>
    %gt3A_149 = arith.cmpf ogt, %gather3A_140, %select_n3A_139 : vector<16xf32>
    %jit3A_150 = arith.constant 1 : i32
    %broadcast_in_dim3A_151 = vector.broadcast %jit3A_150 : i32 to vector<16xi32>
    %select_n3A_152 = arith.select %gt3A_149, %broadcast_in_dim3A_151, %select_n3A_138 : vector<16xi1>, vector<16xi32>
    %select_n3A_153 = arith.select %gt3A_149, %gather3A_140, %select_n3A_139 : vector<16xi1>, vector<16xf32>
    %gather3A_154 = tpu.vector_load_idx %arg13[%broadcast_in_dim3A_7, %iota3A, %get3A_18] : memref<4x16x1000xf32, #tpu.memory_space<vmem>>[vector<16xi32>, vector<16xi32>, vector<16xi32>], vector<16xf32>,
    %eq3A_155 = arith.cmpi eq, %parallel_loop3A_131#6, %get3A_18 : vector<16xi32>
    %eq3A_156 = arith.constant 8 : i32
    %eq3A_157 = vector.broadcast %eq3A_156 : i32 to vector<16xi32>
    %eq3A_158 = arith.cmpi eq, %select_n3A_148, %eq3A_157 : vector<16xi32>
    %and3A_159 = arith.andi %eq3A_158, %eq3A_155 : vector<16xi1>
    %jit3A_160 = arith.constant 2 : i32
    %broadcast_in_dim3A_161 = vector.broadcast %jit3A_160 : i32 to vector<16xi32>
    %select_n3A_162 = arith.select %and3A_159, %broadcast_in_dim3A_161, %select_n3A_148 : vector<16xi1>, vector<16xi32>
    %gt3A_163 = arith.cmpf ogt, %gather3A_154, %select_n3A_153 : vector<16xf32>
    %jit3A_164 = arith.constant 2 : i32
    %broadcast_in_dim3A_165 = vector.broadcast %jit3A_164 : i32 to vector<16xi32>
    %select_n3A_166 = arith.select %gt3A_163, %broadcast_in_dim3A_165, %select_n3A_152 : vector<16xi1>, vector<16xi32>
    %select_n3A_167 = arith.select %gt3A_163, %gather3A_154, %select_n3A_153 : vector<16xi1>, vector<16xf32>
    %gather3A_168 = tpu.vector_load_idx %arg13[%broadcast_in_dim3A_9, %iota3A, %get3A_18] : memref<4x16x1000xf32, #tpu.memory_space<vmem>>[vector<16xi32>, vector<16xi32>, vector<16xi32>], vector<16xf32>,
    %eq3A_169 = arith.cmpi eq, %parallel_loop3A_131#7, %get3A_18 : vector<16xi32>
    %eq3A_170 = arith.constant 8 : i32
    %eq3A_171 = vector.broadcast %eq3A_170 : i32 to vector<16xi32>
    %eq3A_172 = arith.cmpi eq, %select_n3A_162, %eq3A_171 : vector<16xi32>
    %and3A_173 = arith.andi %eq3A_172, %eq3A_169 : vector<16xi1>
    %jit3A_174 = arith.constant 3 : i32
    %broadcast_in_dim3A_175 = vector.broadcast %jit3A_174 : i32 to vector<16xi32>
    %select_n3A_176 = arith.select %and3A_173, %broadcast_in_dim3A_175, %select_n3A_162 : vector<16xi1>, vector<16xi32>
    %gt3A_177 = arith.cmpf ogt, %gather3A_168, %select_n3A_167 : vector<16xf32>
    %jit3A_178 = arith.constant 3 : i32
    %broadcast_in_dim3A_179 = vector.broadcast %jit3A_178 : i32 to vector<16xi32>
    %select_n3A_180 = arith.select %gt3A_177, %broadcast_in_dim3A_179, %select_n3A_166 : vector<16xi1>, vector<16xi32>
    %select_n3A_181 = arith.select %gt3A_177, %gather3A_168, %select_n3A_167 : vector<16xi1>, vector<16xf32>
    %lt3A = arith.constant 8 : i32
    %lt3A_182 = vector.broadcast %lt3A : i32 to vector<16xi32>
    %lt3A_183 = arith.cmpi slt, %select_n3A_176, %lt3A_182 : vector<16xi32>
    %select_n3A_184 = arith.select %lt3A_183, %select_n3A_176, %select_n3A_180 : vector<16xi1>, vector<16xi32>
    %ne3A = arith.cmpi ne, %select_n3A_184, %broadcast_in_dim3A_24 : vector<16xi32>
    %sub3A = arith.constant 0 : i32
    %sub3A_185 = vector.broadcast %sub3A : i32 to vector<16xi32>
    %sub3A_186 = arith.subi %select_n3A_184, %sub3A_185 : vector<16xi32>
    %max3A = arith.constant 0 : i32
    %max3A_187 = vector.broadcast %max3A : i32 to vector<16xi32>
    %max3A_188 = arith.maxsi %sub3A_186, %max3A_187 : vector<16xi32>
    %parallel_loop3A_189 = arith.constant 0 : i32
    %parallel_loop3A_190 = arith.constant 1000 : i32
    %parallel_loop3A_191 = arith.constant 1 : i32
    scf.for %parallel_loop3A_373 = %parallel_loop3A_189 to %parallel_loop3A_190 step %parallel_loop3A_191  : i32 {
      %parallel_loop3A_374 = arith.constant 0 : i32
      %parallel_loop3A_375 = vector.broadcast %parallel_loop3A_374 : i32 to vector<16xi32>
      %parallel_loop3A_376 = vector.broadcast %parallel_loop3A_373 : i32 to vector<16xi32>
      %parallel_loop3A_377 = arith.addi %parallel_loop3A_375, %parallel_loop3A_376 : vector<16xi32>
      %parallel_loop3A_378 = tpu.vector_load_idx %arg13[%max3A_188, %iota3A, %parallel_loop3A_377] : memref<4x16x1000xf32, #tpu.memory_space<vmem>>[vector<16xi32>, vector<16xi32>, vector<16xi32>], vector<16xf32>,
      tpu.vector_store_idx %arg14[%iota3A, %parallel_loop3A_377], %parallel_loop3A_378 masked %ne3A : memref<16x1000xf32, #tpu.memory_space<vmem>>[vector<16xi32>, vector<16xi32>], vector<16xf32>, vector<16xi1>
    } {sc.loop_unroll_factor = 8 : i64, sc.parallel_access}
    %dma_start3A_192 = arith.constant 0 : i32
    %dma_start3A_193 = arith.constant 0 : i32
    %dma_start3A_194 = arith.constant 0 : i32
    %dma_start3A_195 = tpu.memref_slice %arg13[%dma_start3A_192, %dma_start3A_193, %dma_start3A_194] : memref<4x16x1000xf32, #tpu.memory_space<vmem>> -> memref<1x16x1000xf32, #tpu.memory_space<vmem>>
    %dma_start3A_196 = tpu.memref_squeeze %dma_start3A_195 : memref<1x16x1000xf32, #tpu.memory_space<vmem>> -> memref<16x1000xf32, #tpu.memory_space<vmem>>
    %dma_start3A_197 = arith.constant 0 : i32
    %dma_start3A_198 = tpu.memref_slice %arg7[%add3A_15, %dma_start3A_197] : memref<4096x1000xf32, #tpu.memory_space<hbm>> -> memref<16x1000xf32, #tpu.memory_space<hbm>>
    %dma_start3A_199 = arith.constant 0 : i32
    %dma_start3A_200 = arith.constant 0 : i32
    %dma_start3A_201 = tpu.memref_slice %arg13[%dma_start3A_192, %dma_start3A_199, %dma_start3A_200] : memref<4x16x1000xf32, #tpu.memory_space<vmem>> -> memref<1x16x1000xf32, #tpu.memory_space<vmem>>
    %dma_start3A_202 = tpu.memref_squeeze %dma_start3A_201 : memref<1x16x1000xf32, #tpu.memory_space<vmem>> -> memref<16x1000xf32, #tpu.memory_space<vmem>>
    %dma_start3A_203 = arith.constant 0 : i32
    %dma_start3A_204 = tpu.memref_slice %arg7[%add3A_15, %dma_start3A_203] : memref<4096x1000xf32, #tpu.memory_space<hbm>> -> memref<16x1000xf32, #tpu.memory_space<hbm>>
    tpu.enqueue_dma source(%dma_start3A_204 : memref<16x1000xf32, #tpu.memory_space<hbm>>) target(%dma_start3A_202 : memref<16x1000xf32, #tpu.memory_space<vmem>>) target_semaphore(%arg15 : memref<!tpu.dma_semaphore, #tpu.memory_space<semaphore_mem>>)
    %dma_start3A_205 = arith.constant 1 : i32
    %dma_start3A_206 = arith.constant 0 : i32
    %dma_start3A_207 = arith.constant 0 : i32
    %dma_start3A_208 = tpu.memref_slice %arg13[%dma_start3A_205, %dma_start3A_206, %dma_start3A_207] : memref<4x16x1000xf32, #tpu.memory_space<vmem>> -> memref<1x16x1000xf32, #tpu.memory_space<vmem>>
    %dma_start3A_209 = tpu.memref_squeeze %dma_start3A_208 : memref<1x16x1000xf32, #tpu.memory_space<vmem>> -> memref<16x1000xf32, #tpu.memory_space<vmem>>
    %dma_start3A_210 = arith.constant 0 : i32
    %dma_start3A_211 = tpu.memref_slice %arg8[%add3A_15, %dma_start3A_210] : memref<4096x1000xf32, #tpu.memory_space<hbm>> -> memref<16x1000xf32, #tpu.memory_space<hbm>>
    %dma_start3A_212 = arith.constant 0 : i32
    %dma_start3A_213 = arith.constant 0 : i32
    %dma_start3A_214 = tpu.memref_slice %arg13[%dma_start3A_205, %dma_start3A_212, %dma_start3A_213] : memref<4x16x1000xf32, #tpu.memory_space<vmem>> -> memref<1x16x1000xf32, #tpu.memory_space<vmem>>
    %dma_start3A_215 = tpu.memref_squeeze %dma_start3A_214 : memref<1x16x1000xf32, #tpu.memory_space<vmem>> -> memref<16x1000xf32, #tpu.memory_space<vmem>>
    %dma_start3A_216 = arith.constant 0 : i32
    %dma_start3A_217 = tpu.memref_slice %arg8[%add3A_15, %dma_start3A_216] : memref<4096x1000xf32, #tpu.memory_space<hbm>> -> memref<16x1000xf32, #tpu.memory_space<hbm>>
    tpu.enqueue_dma source(%dma_start3A_217 : memref<16x1000xf32, #tpu.memory_space<hbm>>) target(%dma_start3A_215 : memref<16x1000xf32, #tpu.memory_space<vmem>>) target_semaphore(%arg15 : memref<!tpu.dma_semaphore, #tpu.memory_space<semaphore_mem>>)
    %dma_start3A_218 = arith.constant 2 : i32
    %dma_start3A_219 = arith.constant 0 : i32
    %dma_start3A_220 = arith.constant 0 : i32
    %dma_start3A_221 = tpu.memref_slice %arg13[%dma_start3A_218, %dma_start3A_219, %dma_start3A_220] : memref<4x16x1000xf32, #tpu.memory_space<vmem>> -> memref<1x16x1000xf32, #tpu.memory_space<vmem>>
    %dma_start3A_222 = tpu.memref_squeeze %dma_start3A_221 : memref<1x16x1000xf32, #tpu.memory_space<vmem>> -> memref<16x1000xf32, #tpu.memory_space<vmem>>
    %dma_start3A_223 = arith.constant 0 : i32
    %dma_start3A_224 = tpu.memref_slice %arg9[%add3A_15, %dma_start3A_223] : memref<4096x1000xf32, #tpu.memory_space<hbm>> -> memref<16x1000xf32, #tpu.memory_space<hbm>>
    %dma_start3A_225 = arith.constant 0 : i32
    %dma_start3A_226 = arith.constant 0 : i32
    %dma_start3A_227 = tpu.memref_slice %arg13[%dma_start3A_218, %dma_start3A_225, %dma_start3A_226] : memref<4x16x1000xf32, #tpu.memory_space<vmem>> -> memref<1x16x1000xf32, #tpu.memory_space<vmem>>
    %dma_start3A_228 = tpu.memref_squeeze %dma_start3A_227 : memref<1x16x1000xf32, #tpu.memory_space<vmem>> -> memref<16x1000xf32, #tpu.memory_space<vmem>>
    %dma_start3A_229 = arith.constant 0 : i32
    %dma_start3A_230 = tpu.memref_slice %arg9[%add3A_15, %dma_start3A_229] : memref<4096x1000xf32, #tpu.memory_space<hbm>> -> memref<16x1000xf32, #tpu.memory_space<hbm>>
    tpu.enqueue_dma source(%dma_start3A_230 : memref<16x1000xf32, #tpu.memory_space<hbm>>) target(%dma_start3A_228 : memref<16x1000xf32, #tpu.memory_space<vmem>>) target_semaphore(%arg15 : memref<!tpu.dma_semaphore, #tpu.memory_space<semaphore_mem>>)
    %dma_start3A_231 = arith.constant 3 : i32
    %dma_start3A_232 = arith.constant 0 : i32
    %dma_start3A_233 = arith.constant 0 : i32
    %dma_start3A_234 = tpu.memref_slice %arg13[%dma_start3A_231, %dma_start3A_232, %dma_start3A_233] : memref<4x16x1000xf32, #tpu.memory_space<vmem>> -> memref<1x16x1000xf32, #tpu.memory_space<vmem>>
    %dma_start3A_235 = tpu.memref_squeeze %dma_start3A_234 : memref<1x16x1000xf32, #tpu.memory_space<vmem>> -> memref<16x1000xf32, #tpu.memory_space<vmem>>
    %dma_start3A_236 = arith.constant 0 : i32
    %dma_start3A_237 = tpu.memref_slice %arg10[%add3A_15, %dma_start3A_236] : memref<4096x1000xf32, #tpu.memory_space<hbm>> -> memref<16x1000xf32, #tpu.memory_space<hbm>>
    %dma_start3A_238 = arith.constant 0 : i32
    %dma_start3A_239 = arith.constant 0 : i32
    %dma_start3A_240 = tpu.memref_slice %arg13[%dma_start3A_231, %dma_start3A_238, %dma_start3A_239] : memref<4x16x1000xf32, #tpu.memory_space<vmem>> -> memref<1x16x1000xf32, #tpu.memory_space<vmem>>
    %dma_start3A_241 = tpu.memref_squeeze %dma_start3A_240 : memref<1x16x1000xf32, #tpu.memory_space<vmem>> -> memref<16x1000xf32, #tpu.memory_space<vmem>>
    %dma_start3A_242 = arith.constant 0 : i32
    %dma_start3A_243 = tpu.memref_slice %arg10[%add3A_15, %dma_start3A_242] : memref<4096x1000xf32, #tpu.memory_space<hbm>> -> memref<16x1000xf32, #tpu.memory_space<hbm>>
    tpu.enqueue_dma source(%dma_start3A_243 : memref<16x1000xf32, #tpu.memory_space<hbm>>) target(%dma_start3A_241 : memref<16x1000xf32, #tpu.memory_space<vmem>>) target_semaphore(%arg15 : memref<!tpu.dma_semaphore, #tpu.memory_space<semaphore_mem>>)
    %dma_wait3A_244 = arith.constant 0 : i32
    %dma_wait3A_245 = arith.constant 0 : i32
    %dma_wait3A_246 = arith.constant 0 : i32
    %dma_wait3A_247 = tpu.memref_slice %arg13[%dma_wait3A_244, %dma_wait3A_245, %dma_wait3A_246] : memref<4x16x1000xf32, #tpu.memory_space<vmem>> -> memref<1x16x1000xf32, #tpu.memory_space<vmem>>
    %dma_wait3A_248 = tpu.memref_squeeze %dma_wait3A_247 : memref<1x16x1000xf32, #tpu.memory_space<vmem>> -> memref<16x1000xf32, #tpu.memory_space<vmem>>
    %dma_wait3A_249 = arith.constant 0 : i32
    %dma_wait3A_250 = tpu.memref_slice %arg7[%add3A_15, %dma_wait3A_249] : memref<4096x1000xf32, #tpu.memory_space<hbm>> -> memref<16x1000xf32, #tpu.memory_space<hbm>>
    %dma_wait3A_251 = arith.constant 0 : i32
    %dma_wait3A_252 = arith.constant 0 : i32
    %dma_wait3A_253 = tpu.memref_slice %arg13[%dma_wait3A_244, %dma_wait3A_251, %dma_wait3A_252] : memref<4x16x1000xf32, #tpu.memory_space<vmem>> -> memref<1x16x1000xf32, #tpu.memory_space<vmem>>
    %dma_wait3A_254 = tpu.memref_squeeze %dma_wait3A_253 : memref<1x16x1000xf32, #tpu.memory_space<vmem>> -> memref<16x1000xf32, #tpu.memory_space<vmem>>
    %dma_wait3A_255 = arith.constant 0 : i32
    %dma_wait3A_256 = tpu.memref_slice %arg7[%add3A_15, %dma_wait3A_255] : memref<4096x1000xf32, #tpu.memory_space<hbm>> -> memref<16x1000xf32, #tpu.memory_space<hbm>>
    tpu.wait_dma2 semaphore(%arg15 : memref<!tpu.dma_semaphore, #tpu.memory_space<semaphore_mem>>) src(%dma_wait3A_256 : memref<16x1000xf32, #tpu.memory_space<hbm>>) dst(%dma_wait3A_254 : memref<16x1000xf32, #tpu.memory_space<vmem>>)
    %dma_wait3A_257 = arith.constant 1 : i32
    %dma_wait3A_258 = arith.constant 0 : i32
    %dma_wait3A_259 = arith.constant 0 : i32
    %dma_wait3A_260 = tpu.memref_slice %arg13[%dma_wait3A_257, %dma_wait3A_258, %dma_wait3A_259] : memref<4x16x1000xf32, #tpu.memory_space<vmem>> -> memref<1x16x1000xf32, #tpu.memory_space<vmem>>
    %dma_wait3A_261 = tpu.memref_squeeze %dma_wait3A_260 : memref<1x16x1000xf32, #tpu.memory_space<vmem>> -> memref<16x1000xf32, #tpu.memory_space<vmem>>
    %dma_wait3A_262 = arith.constant 0 : i32
    %dma_wait3A_263 = tpu.memref_slice %arg8[%add3A_15, %dma_wait3A_262] : memref<4096x1000xf32, #tpu.memory_space<hbm>> -> memref<16x1000xf32, #tpu.memory_space<hbm>>
    %dma_wait3A_264 = arith.constant 0 : i32
    %dma_wait3A_265 = arith.constant 0 : i32
    %dma_wait3A_266 = tpu.memref_slice %arg13[%dma_wait3A_257, %dma_wait3A_264, %dma_wait3A_265] : memref<4x16x1000xf32, #tpu.memory_space<vmem>> -> memref<1x16x1000xf32, #tpu.memory_space<vmem>>
    %dma_wait3A_267 = tpu.memref_squeeze %dma_wait3A_266 : memref<1x16x1000xf32, #tpu.memory_space<vmem>> -> memref<16x1000xf32, #tpu.memory_space<vmem>>
    %dma_wait3A_268 = arith.constant 0 : i32
    %dma_wait3A_269 = tpu.memref_slice %arg8[%add3A_15, %dma_wait3A_268] : memref<4096x1000xf32, #tpu.memory_space<hbm>> -> memref<16x1000xf32, #tpu.memory_space<hbm>>
    tpu.wait_dma2 semaphore(%arg15 : memref<!tpu.dma_semaphore, #tpu.memory_space<semaphore_mem>>) src(%dma_wait3A_269 : memref<16x1000xf32, #tpu.memory_space<hbm>>) dst(%dma_wait3A_267 : memref<16x1000xf32, #tpu.memory_space<vmem>>)
    %dma_wait3A_270 = arith.constant 2 : i32
    %dma_wait3A_271 = arith.constant 0 : i32
    %dma_wait3A_272 = arith.constant 0 : i32
    %dma_wait3A_273 = tpu.memref_slice %arg13[%dma_wait3A_270, %dma_wait3A_271, %dma_wait3A_272] : memref<4x16x1000xf32, #tpu.memory_space<vmem>> -> memref<1x16x1000xf32, #tpu.memory_space<vmem>>
    %dma_wait3A_274 = tpu.memref_squeeze %dma_wait3A_273 : memref<1x16x1000xf32, #tpu.memory_space<vmem>> -> memref<16x1000xf32, #tpu.memory_space<vmem>>
    %dma_wait3A_275 = arith.constant 0 : i32
    %dma_wait3A_276 = tpu.memref_slice %arg9[%add3A_15, %dma_wait3A_275] : memref<4096x1000xf32, #tpu.memory_space<hbm>> -> memref<16x1000xf32, #tpu.memory_space<hbm>>
    %dma_wait3A_277 = arith.constant 0 : i32
    %dma_wait3A_278 = arith.constant 0 : i32
    %dma_wait3A_279 = tpu.memref_slice %arg13[%dma_wait3A_270, %dma_wait3A_277, %dma_wait3A_278] : memref<4x16x1000xf32, #tpu.memory_space<vmem>> -> memref<1x16x1000xf32, #tpu.memory_space<vmem>>
    %dma_wait3A_280 = tpu.memref_squeeze %dma_wait3A_279 : memref<1x16x1000xf32, #tpu.memory_space<vmem>> -> memref<16x1000xf32, #tpu.memory_space<vmem>>
    %dma_wait3A_281 = arith.constant 0 : i32
    %dma_wait3A_282 = tpu.memref_slice %arg9[%add3A_15, %dma_wait3A_281] : memref<4096x1000xf32, #tpu.memory_space<hbm>> -> memref<16x1000xf32, #tpu.memory_space<hbm>>
    tpu.wait_dma2 semaphore(%arg15 : memref<!tpu.dma_semaphore, #tpu.memory_space<semaphore_mem>>) src(%dma_wait3A_282 : memref<16x1000xf32, #tpu.memory_space<hbm>>) dst(%dma_wait3A_280 : memref<16x1000xf32, #tpu.memory_space<vmem>>)
    %dma_wait3A_283 = arith.constant 3 : i32
    %dma_wait3A_284 = arith.constant 0 : i32
    %dma_wait3A_285 = arith.constant 0 : i32
    %dma_wait3A_286 = tpu.memref_slice %arg13[%dma_wait3A_283, %dma_wait3A_284, %dma_wait3A_285] : memref<4x16x1000xf32, #tpu.memory_space<vmem>> -> memref<1x16x1000xf32, #tpu.memory_space<vmem>>
    %dma_wait3A_287 = tpu.memref_squeeze %dma_wait3A_286 : memref<1x16x1000xf32, #tpu.memory_space<vmem>> -> memref<16x1000xf32, #tpu.memory_space<vmem>>
    %dma_wait3A_288 = arith.constant 0 : i32
    %dma_wait3A_289 = tpu.memref_slice %arg10[%add3A_15, %dma_wait3A_288] : memref<4096x1000xf32, #tpu.memory_space<hbm>> -> memref<16x1000xf32, #tpu.memory_space<hbm>>
    %dma_wait3A_290 = arith.constant 0 : i32
    %dma_wait3A_291 = arith.constant 0 : i32
    %dma_wait3A_292 = tpu.memref_slice %arg13[%dma_wait3A_283, %dma_wait3A_290, %dma_wait3A_291] : memref<4x16x1000xf32, #tpu.memory_space<vmem>> -> memref<1x16x1000xf32, #tpu.memory_space<vmem>>
    %dma_wait3A_293 = tpu.memref_squeeze %dma_wait3A_292 : memref<1x16x1000xf32, #tpu.memory_space<vmem>> -> memref<16x1000xf32, #tpu.memory_space<vmem>>
    %dma_wait3A_294 = arith.constant 0 : i32
    %dma_wait3A_295 = tpu.memref_slice %arg10[%add3A_15, %dma_wait3A_294] : memref<4096x1000xf32, #tpu.memory_space<hbm>> -> memref<16x1000xf32, #tpu.memory_space<hbm>>
    tpu.wait_dma2 semaphore(%arg15 : memref<!tpu.dma_semaphore, #tpu.memory_space<semaphore_mem>>) src(%dma_wait3A_295 : memref<16x1000xf32, #tpu.memory_space<hbm>>) dst(%dma_wait3A_293 : memref<16x1000xf32, #tpu.memory_space<vmem>>)
    %broadcast_in_dim3A_296 = arith.constant 0 : i32
    %broadcast_in_dim3A_297 = vector.broadcast %broadcast_in_dim3A_296 : i32 to vector<16xi32>
    %parallel_loop3A_298 = arith.constant 0 : i32
    %parallel_loop3A_299 = arith.constant 1000 : i32
    %parallel_loop3A_300 = arith.constant 1 : i32
    %parallel_loop3A_301:8 = scf.for %parallel_loop3A_373 = %parallel_loop3A_298 to %parallel_loop3A_299 step %parallel_loop3A_300 iter_args(%parallel_loop3A_374 = %broadcast_in_dim3A_11, %parallel_loop3A_375 = %broadcast_in_dim3A_11, %parallel_loop3A_376 = %broadcast_in_dim3A_11, %parallel_loop3A_377 = %broadcast_in_dim3A_11, %parallel_loop3A_378 = %broadcast_in_dim3A_297, %parallel_loop3A_379 = %broadcast_in_dim3A_297, %parallel_loop3A_380 = %broadcast_in_dim3A_297, %parallel_loop3A_381 = %broadcast_in_dim3A_297) -> (vector<16xf32>, vector<16xf32>, vector<16xf32>, vector<16xf32>, vector<16xi32>, vector<16xi32>, vector<16xi32>, vector<16xi32>)  : i32 {
      %parallel_loop3A_382 = arith.constant 0 : i32
      %parallel_loop3A_383 = vector.broadcast %parallel_loop3A_382 : i32 to vector<16xi32>
      %parallel_loop3A_384 = vector.broadcast %parallel_loop3A_373 : i32 to vector<16xi32>
      %parallel_loop3A_385 = arith.addi %parallel_loop3A_383, %parallel_loop3A_384 : vector<16xi32>
      %parallel_loop3A_386 = tpu.vector_load_idx %arg13[%broadcast_in_dim3A_3, %iota3A, %parallel_loop3A_385] : memref<4x16x1000xf32, #tpu.memory_space<vmem>>[vector<16xi32>, vector<16xi32>, vector<16xi32>], vector<16xf32>,
      %parallel_loop3A_387 = arith.cmpf ogt, %parallel_loop3A_386, %parallel_loop3A_374 : vector<16xf32>
      %parallel_loop3A_388 = arith.select %parallel_loop3A_387, %parallel_loop3A_386, %parallel_loop3A_374 : vector<16xi1>, vector<16xf32>
      %parallel_loop3A_389 = arith.select %parallel_loop3A_387, %parallel_loop3A_385, %parallel_loop3A_378 : vector<16xi1>, vector<16xi32>
      %parallel_loop3A_390 = tpu.vector_load_idx %arg13[%broadcast_in_dim3A_5, %iota3A, %parallel_loop3A_385] : memref<4x16x1000xf32, #tpu.memory_space<vmem>>[vector<16xi32>, vector<16xi32>, vector<16xi32>], vector<16xf32>,
      %parallel_loop3A_391 = arith.cmpf ogt, %parallel_loop3A_390, %parallel_loop3A_375 : vector<16xf32>
      %parallel_loop3A_392 = arith.select %parallel_loop3A_391, %parallel_loop3A_390, %parallel_loop3A_375 : vector<16xi1>, vector<16xf32>
      %parallel_loop3A_393 = arith.select %parallel_loop3A_391, %parallel_loop3A_385, %parallel_loop3A_379 : vector<16xi1>, vector<16xi32>
      %parallel_loop3A_394 = tpu.vector_load_idx %arg13[%broadcast_in_dim3A_7, %iota3A, %parallel_loop3A_385] : memref<4x16x1000xf32, #tpu.memory_space<vmem>>[vector<16xi32>, vector<16xi32>, vector<16xi32>], vector<16xf32>,
      %parallel_loop3A_395 = arith.cmpf ogt, %parallel_loop3A_394, %parallel_loop3A_376 : vector<16xf32>
      %parallel_loop3A_396 = arith.select %parallel_loop3A_395, %parallel_loop3A_394, %parallel_loop3A_376 : vector<16xi1>, vector<16xf32>
      %parallel_loop3A_397 = arith.select %parallel_loop3A_395, %parallel_loop3A_385, %parallel_loop3A_380 : vector<16xi1>, vector<16xi32>
      %parallel_loop3A_398 = tpu.vector_load_idx %arg13[%broadcast_in_dim3A_9, %iota3A, %parallel_loop3A_385] : memref<4x16x1000xf32, #tpu.memory_space<vmem>>[vector<16xi32>, vector<16xi32>, vector<16xi32>], vector<16xf32>,
      %parallel_loop3A_399 = arith.cmpf ogt, %parallel_loop3A_398, %parallel_loop3A_377 : vector<16xf32>
      %parallel_loop3A_400 = arith.select %parallel_loop3A_399, %parallel_loop3A_398, %parallel_loop3A_377 : vector<16xi1>, vector<16xf32>
      %parallel_loop3A_401 = arith.select %parallel_loop3A_399, %parallel_loop3A_385, %parallel_loop3A_381 : vector<16xi1>, vector<16xi32>
      scf.yield %parallel_loop3A_388, %parallel_loop3A_392, %parallel_loop3A_396, %parallel_loop3A_400, %parallel_loop3A_389, %parallel_loop3A_393, %parallel_loop3A_397, %parallel_loop3A_401 : vector<16xf32>, vector<16xf32>, vector<16xf32>, vector<16xf32>, vector<16xi32>, vector<16xi32>, vector<16xi32>, vector<16xi32>
    } {sc.loop_unroll_factor = 8 : i64, sc.parallel_access}
    %gather3A_302 = tpu.vector_load_idx %arg13[%broadcast_in_dim3A_3, %iota3A, %get3A_18] : memref<4x16x1000xf32, #tpu.memory_space<vmem>>[vector<16xi32>, vector<16xi32>, vector<16xi32>], vector<16xf32>,
    %eq3A_303 = arith.cmpi eq, %parallel_loop3A_301#4, %get3A_18 : vector<16xi32>
    %eq3A_304 = arith.constant 8 : i32
    %eq3A_305 = vector.broadcast %eq3A_304 : i32 to vector<16xi32>
    %eq3A_306 = arith.cmpi eq, %select_n3A_176, %eq3A_305 : vector<16xi32>
    %and3A_307 = arith.andi %eq3A_306, %eq3A_303 : vector<16xi1>
    %jit3A_308 = arith.constant 4 : i32
    %broadcast_in_dim3A_309 = vector.broadcast %jit3A_308 : i32 to vector<16xi32>
    %select_n3A_310 = arith.select %and3A_307, %broadcast_in_dim3A_309, %select_n3A_176 : vector<16xi1>, vector<16xi32>
    %gt3A_311 = arith.cmpf ogt, %gather3A_302, %select_n3A_181 : vector<16xf32>
    %jit3A_312 = arith.constant 4 : i32
    %broadcast_in_dim3A_313 = vector.broadcast %jit3A_312 : i32 to vector<16xi32>
    %select_n3A_314 = arith.select %gt3A_311, %broadcast_in_dim3A_313, %select_n3A_180 : vector<16xi1>, vector<16xi32>
    %select_n3A_315 = arith.select %gt3A_311, %gather3A_302, %select_n3A_181 : vector<16xi1>, vector<16xf32>
    %gather3A_316 = tpu.vector_load_idx %arg13[%broadcast_in_dim3A_5, %iota3A, %get3A_18] : memref<4x16x1000xf32, #tpu.memory_space<vmem>>[vector<16xi32>, vector<16xi32>, vector<16xi32>], vector<16xf32>,
    %eq3A_317 = arith.cmpi eq, %parallel_loop3A_301#5, %get3A_18 : vector<16xi32>
    %eq3A_318 = arith.constant 8 : i32
    %eq3A_319 = vector.broadcast %eq3A_318 : i32 to vector<16xi32>
    %eq3A_320 = arith.cmpi eq, %select_n3A_310, %eq3A_319 : vector<16xi32>
    %and3A_321 = arith.andi %eq3A_320, %eq3A_317 : vector<16xi1>
    %jit3A_322 = arith.constant 5 : i32
    %broadcast_in_dim3A_323 = vector.broadcast %jit3A_322 : i32 to vector<16xi32>
    %select_n3A_324 = arith.select %and3A_321, %broadcast_in_dim3A_323, %select_n3A_310 : vector<16xi1>, vector<16xi32>
    %gt3A_325 = arith.cmpf ogt, %gather3A_316, %select_n3A_315 : vector<16xf32>
    %jit3A_326 = arith.constant 5 : i32
    %broadcast_in_dim3A_327 = vector.broadcast %jit3A_326 : i32 to vector<16xi32>
    %select_n3A_328 = arith.select %gt3A_325, %broadcast_in_dim3A_327, %select_n3A_314 : vector<16xi1>, vector<16xi32>
    %select_n3A_329 = arith.select %gt3A_325, %gather3A_316, %select_n3A_315 : vector<16xi1>, vector<16xf32>
    %gather3A_330 = tpu.vector_load_idx %arg13[%broadcast_in_dim3A_7, %iota3A, %get3A_18] : memref<4x16x1000xf32, #tpu.memory_space<vmem>>[vector<16xi32>, vector<16xi32>, vector<16xi32>], vector<16xf32>,
    %eq3A_331 = arith.cmpi eq, %parallel_loop3A_301#6, %get3A_18 : vector<16xi32>
    %eq3A_332 = arith.constant 8 : i32
    %eq3A_333 = vector.broadcast %eq3A_332 : i32 to vector<16xi32>
    %eq3A_334 = arith.cmpi eq, %select_n3A_324, %eq3A_333 : vector<16xi32>
    %and3A_335 = arith.andi %eq3A_334, %eq3A_331 : vector<16xi1>
    %jit3A_336 = arith.constant 6 : i32
    %broadcast_in_dim3A_337 = vector.broadcast %jit3A_336 : i32 to vector<16xi32>
    %select_n3A_338 = arith.select %and3A_335, %broadcast_in_dim3A_337, %select_n3A_324 : vector<16xi1>, vector<16xi32>
    %gt3A_339 = arith.cmpf ogt, %gather3A_330, %select_n3A_329 : vector<16xf32>
    %jit3A_340 = arith.constant 6 : i32
    %broadcast_in_dim3A_341 = vector.broadcast %jit3A_340 : i32 to vector<16xi32>
    %select_n3A_342 = arith.select %gt3A_339, %broadcast_in_dim3A_341, %select_n3A_328 : vector<16xi1>, vector<16xi32>
    %select_n3A_343 = arith.select %gt3A_339, %gather3A_330, %select_n3A_329 : vector<16xi1>, vector<16xf32>
    %gather3A_344 = tpu.vector_load_idx %arg13[%broadcast_in_dim3A_9, %iota3A, %get3A_18] : memref<4x16x1000xf32, #tpu.memory_space<vmem>>[vector<16xi32>, vector<16xi32>, vector<16xi32>], vector<16xf32>,
    %eq3A_345 = arith.cmpi eq, %parallel_loop3A_301#7, %get3A_18 : vector<16xi32>
    %eq3A_346 = arith.constant 8 : i32
    %eq3A_347 = vector.broadcast %eq3A_346 : i32 to vector<16xi32>
    %eq3A_348 = arith.cmpi eq, %select_n3A_338, %eq3A_347 : vector<16xi32>
    %and3A_349 = arith.andi %eq3A_348, %eq3A_345 : vector<16xi1>
    %jit3A_350 = arith.constant 7 : i32
    %broadcast_in_dim3A_351 = vector.broadcast %jit3A_350 : i32 to vector<16xi32>
    %select_n3A_352 = arith.select %and3A_349, %broadcast_in_dim3A_351, %select_n3A_338 : vector<16xi1>, vector<16xi32>
    %gt3A_353 = arith.cmpf ogt, %gather3A_344, %select_n3A_343 : vector<16xf32>
    %jit3A_354 = arith.constant 7 : i32
    %broadcast_in_dim3A_355 = vector.broadcast %jit3A_354 : i32 to vector<16xi32>
    %select_n3A_356 = arith.select %gt3A_353, %broadcast_in_dim3A_355, %select_n3A_342 : vector<16xi1>, vector<16xi32>
    %select_n3A_357 = arith.select %gt3A_353, %gather3A_344, %select_n3A_343 : vector<16xi1>, vector<16xf32>
    %lt3A_358 = arith.constant 8 : i32
    %lt3A_359 = vector.broadcast %lt3A_358 : i32 to vector<16xi32>
    %lt3A_360 = arith.cmpi slt, %select_n3A_352, %lt3A_359 : vector<16xi32>
    %select_n3A_361 = arith.select %lt3A_360, %select_n3A_352, %select_n3A_356 : vector<16xi1>, vector<16xi32>
    %ne3A_362 = arith.cmpi ne, %select_n3A_361, %select_n3A_184 : vector<16xi32>
    %sub3A_363 = arith.constant 4 : i32
    %sub3A_364 = vector.broadcast %sub3A_363 : i32 to vector<16xi32>
    %sub3A_365 = arith.subi %select_n3A_361, %sub3A_364 : vector<16xi32>
    %max3A_366 = arith.constant 0 : i32
    %max3A_367 = vector.broadcast %max3A_366 : i32 to vector<16xi32>
    %max3A_368 = arith.maxsi %sub3A_365, %max3A_367 : vector<16xi32>
    %parallel_loop3A_369 = arith.constant 0 : i32
    %parallel_loop3A_370 = arith.constant 1000 : i32
    %parallel_loop3A_371 = arith.constant 1 : i32
    scf.for %parallel_loop3A_373 = %parallel_loop3A_369 to %parallel_loop3A_370 step %parallel_loop3A_371  : i32 {
      %parallel_loop3A_374 = arith.constant 0 : i32
      %parallel_loop3A_375 = vector.broadcast %parallel_loop3A_374 : i32 to vector<16xi32>
      %parallel_loop3A_376 = vector.broadcast %parallel_loop3A_373 : i32 to vector<16xi32>
      %parallel_loop3A_377 = arith.addi %parallel_loop3A_375, %parallel_loop3A_376 : vector<16xi32>
      %parallel_loop3A_378 = tpu.vector_load_idx %arg13[%max3A_368, %iota3A, %parallel_loop3A_377] : memref<4x16x1000xf32, #tpu.memory_space<vmem>>[vector<16xi32>, vector<16xi32>, vector<16xi32>], vector<16xf32>,
      tpu.vector_store_idx %arg14[%iota3A, %parallel_loop3A_377], %parallel_loop3A_378 masked %ne3A_362 : memref<16x1000xf32, #tpu.memory_space<vmem>>[vector<16xi32>, vector<16xi32>], vector<16xf32>, vector<16xi1>
    } {sc.loop_unroll_factor = 8 : i64, sc.parallel_access}
    "tpu.region"() ({
      %run_scoped3A = tpu.sem_alloc : memref<!tpu.dma_semaphore, #tpu.memory_space<semaphore_mem>>
      %dma_start3A_373 = arith.constant 0 : i32
      %dma_start3A_374 = tpu.memref_slice %arg11[%add3A_15, %dma_start3A_373] : memref<512x1000xf32, #tpu.memory_space<hbm>> -> memref<16x1000xf32, #tpu.memory_space<hbm>>
      %dma_start3A_375 = arith.constant 0 : i32
      %dma_start3A_376 = tpu.memref_slice %arg11[%add3A_15, %dma_start3A_375] : memref<512x1000xf32, #tpu.memory_space<hbm>> -> memref<16x1000xf32, #tpu.memory_space<hbm>>
      tpu.enqueue_dma source(%arg14 : memref<16x1000xf32, #tpu.memory_space<vmem>>) target(%dma_start3A_376 : memref<16x1000xf32, #tpu.memory_space<hbm>>) target_semaphore(%run_scoped3A : memref<!tpu.dma_semaphore, #tpu.memory_space<semaphore_mem>>)
      %dma_wait3A_377 = arith.constant 0 : i32
      %dma_wait3A_378 = tpu.memref_slice %arg11[%add3A_15, %dma_wait3A_377] : memref<512x1000xf32, #tpu.memory_space<hbm>> -> memref<16x1000xf32, #tpu.memory_space<hbm>>
      %dma_wait3A_379 = arith.constant 0 : i32
      %dma_wait3A_380 = tpu.memref_slice %arg11[%add3A_15, %dma_wait3A_379] : memref<512x1000xf32, #tpu.memory_space<hbm>> -> memref<16x1000xf32, #tpu.memory_space<hbm>>
      tpu.wait_dma2 semaphore(%run_scoped3A : memref<!tpu.dma_semaphore, #tpu.memory_space<semaphore_mem>>) src(%arg14 : memref<16x1000xf32, #tpu.memory_space<vmem>>) dst(%dma_wait3A_380 : memref<16x1000xf32, #tpu.memory_space<hbm>>)
      tpu.yield
    }) : () -> ()
    %scan3A_372 = arith.constant 1 : i32
    return
  }
}

module attributes {stable_mosaic.version = 14 : i64} {
  func.func @_tc_oracle_block(%arg0: i32, %arg1: memref<256x1xi32, #tpu.memory_space<vmem>>, %arg2: memref<256x1000xf32, #tpu.memory_space<vmem>>, %arg3: memref<256x1000xf32, #tpu.memory_space<vmem>>, %arg4: memref<256x1000xf32, #tpu.memory_space<vmem>>, %arg5: memref<256x1000xf32, #tpu.memory_space<vmem>>, %arg6: memref<256x1000xf32, #tpu.memory_space<vmem>>, %arg7: memref<256x1000xf32, #tpu.memory_space<vmem>>, %arg8: memref<256x1000xf32, #tpu.memory_space<vmem>>, %arg9: memref<256x1000xf32, #tpu.memory_space<vmem>>, %arg10: memref<256x1000xf32, #tpu.memory_space<vmem>>) attributes {dimension_semantics = [#tpu.dimension_semantics<arbitrary>], iteration_bounds = array<i64: 14>, scalar_prefetch = 0 : i64, scratch_operands = 0 : i64, tpu.core_type = #tpu.core_type<tc>, window_params = [{transform_indices = @transform_0, window_bounds = array<i64: 256, 1>}, {transform_indices = @transform_1, window_bounds = array<i64: 256, 1000>}, {transform_indices = @transform_2, window_bounds = array<i64: 256, 1000>}, {transform_indices = @transform_3, window_bounds = array<i64: 256, 1000>}, {transform_indices = @transform_4, window_bounds = array<i64: 256, 1000>}, {transform_indices = @transform_5, window_bounds = array<i64: 256, 1000>}, {transform_indices = @transform_6, window_bounds = array<i64: 256, 1000>}, {transform_indices = @transform_7, window_bounds = array<i64: 256, 1000>}, {transform_indices = @transform_8, window_bounds = array<i64: 256, 1000>}, {transform_indices = @transform_9, window_bounds = array<i64: 256, 1000>}]} {
    %get3A = arith.constant 0 : index
    %get3A_0 = arith.constant 0 : index
    %get3A_1 = vector.load %arg1[%get3A, %get3A_0] : memref<256x1xi32, #tpu.memory_space<vmem>>, vector<256x1xi32>
    %iota3A = tpu.iota {dimensions = array<i32: 1>} : vector<256x1000xi32>
    %eq3A = vector.broadcast %get3A_1 : vector<256x1xi32> to vector<256x1000xi32>
    %eq3A_2 = arith.cmpi eq, %iota3A, %eq3A : vector<256x1000xi32>
    %lt3A = vector.broadcast %get3A_1 : vector<256x1xi32> to vector<256x1000xi32>
    %lt3A_3 = arith.cmpi slt, %iota3A, %lt3A : vector<256x1000xi32>
    %broadcast_in_dim3A = arith.constant 8 : i32
    %broadcast_in_dim3A_4 = vector.broadcast %broadcast_in_dim3A : i32 to vector<256x1xi32>
    %broadcast_in_dim3A_5 = arith.constant 0 : i32
    %broadcast_in_dim3A_6 = vector.broadcast %broadcast_in_dim3A_5 : i32 to vector<256x1xi32>
    %broadcast_in_dim3A_7 = arith.constant 0xFF800000 : f32
    %broadcast_in_dim3A_8 = vector.broadcast %broadcast_in_dim3A_7 : f32 to vector<256x1xf32>
    %get3A_9 = arith.constant 0 : index
    %get3A_10 = arith.constant 0 : index
    %get3A_11 = vector.load %arg2[%get3A_9, %get3A_10] : memref<256x1000xf32, #tpu.memory_space<vmem>>, vector<256x1000xf32>
    %reduce_max3A = arith.constant dense<0xFF800000> : vector<256xf32>
    %reduce_max3A_12 = vector.multi_reduction <maximumf>, %get3A_11, %reduce_max3A [1] : vector<256x1000xf32> to vector<256xf32>
    %broadcast_in_dim3A_13 = vector.shape_cast %reduce_max3A_12 : vector<256xf32> to vector<256x1xf32>
    %jit3A = arith.constant 0xFF800000 : f32
    %broadcast_in_dim3A_14 = vector.broadcast %jit3A : f32 to vector<256x1000xf32>
    %select_n3A = arith.select %eq3A_2, %get3A_11, %broadcast_in_dim3A_14 : vector<256x1000xi1>, vector<256x1000xf32>
    %reduce_max3A_15 = arith.constant dense<0xFF800000> : vector<256xf32>
    %reduce_max3A_16 = vector.multi_reduction <maximumf>, %select_n3A, %reduce_max3A_15 [1] : vector<256x1000xf32> to vector<256xf32>
    %broadcast_in_dim3A_17 = vector.shape_cast %reduce_max3A_16 : vector<256xf32> to vector<256x1xf32>
    %jit3A_18 = arith.constant 0xFF800000 : f32
    %broadcast_in_dim3A_19 = vector.broadcast %jit3A_18 : f32 to vector<256x1000xf32>
    %select_n3A_20 = arith.select %lt3A_3, %get3A_11, %broadcast_in_dim3A_19 : vector<256x1000xi1>, vector<256x1000xf32>
    %reduce_max3A_21 = arith.constant dense<0xFF800000> : vector<256xf32>
    %reduce_max3A_22 = vector.multi_reduction <maximumf>, %select_n3A_20, %reduce_max3A_21 [1] : vector<256x1000xf32> to vector<256xf32>
    %broadcast_in_dim3A_23 = vector.shape_cast %reduce_max3A_22 : vector<256xf32> to vector<256x1xf32>
    %ge3A = arith.cmpf oge, %broadcast_in_dim3A_17, %broadcast_in_dim3A_13 : vector<256x1xf32>
    %lt3A_24 = arith.cmpf olt, %broadcast_in_dim3A_23, %broadcast_in_dim3A_13 : vector<256x1xf32>
    %and3A = arith.andi %ge3A, %lt3A_24 : vector<256x1xi1>
    %eq3A_25 = arith.constant 8 : i32
    %eq3A_26 = vector.broadcast %eq3A_25 : i32 to vector<256x1xi32>
    %eq3A_27 = arith.cmpi eq, %broadcast_in_dim3A_4, %eq3A_26 : vector<256x1xi32>
    %and3A_28 = arith.andi %eq3A_27, %and3A : vector<256x1xi1>
    %jit3A_29 = arith.constant 0 : i32
    %broadcast_in_dim3A_30 = vector.broadcast %jit3A_29 : i32 to vector<256x1xi32>
    %select_n3A_31 = arith.select %and3A_28, %broadcast_in_dim3A_30, %broadcast_in_dim3A_4 : vector<256x1xi1>, vector<256x1xi32>
    %gt3A = arith.cmpf ogt, %broadcast_in_dim3A_17, %broadcast_in_dim3A_8 : vector<256x1xf32>
    %jit3A_32 = arith.constant 0 : i32
    %broadcast_in_dim3A_33 = vector.broadcast %jit3A_32 : i32 to vector<256x1xi32>
    %select_n3A_34 = arith.select %gt3A, %broadcast_in_dim3A_33, %broadcast_in_dim3A_6 : vector<256x1xi1>, vector<256x1xi32>
    %select_n3A_35 = arith.select %gt3A, %broadcast_in_dim3A_17, %broadcast_in_dim3A_8 : vector<256x1xi1>, vector<256x1xf32>
    %get3A_36 = arith.constant 0 : index
    %get3A_37 = arith.constant 0 : index
    %get3A_38 = vector.load %arg3[%get3A_36, %get3A_37] : memref<256x1000xf32, #tpu.memory_space<vmem>>, vector<256x1000xf32>
    %reduce_max3A_39 = arith.constant dense<0xFF800000> : vector<256xf32>
    %reduce_max3A_40 = vector.multi_reduction <maximumf>, %get3A_38, %reduce_max3A_39 [1] : vector<256x1000xf32> to vector<256xf32>
    %broadcast_in_dim3A_41 = vector.shape_cast %reduce_max3A_40 : vector<256xf32> to vector<256x1xf32>
    %jit3A_42 = arith.constant 0xFF800000 : f32
    %broadcast_in_dim3A_43 = vector.broadcast %jit3A_42 : f32 to vector<256x1000xf32>
    %select_n3A_44 = arith.select %eq3A_2, %get3A_38, %broadcast_in_dim3A_43 : vector<256x1000xi1>, vector<256x1000xf32>
    %reduce_max3A_45 = arith.constant dense<0xFF800000> : vector<256xf32>
    %reduce_max3A_46 = vector.multi_reduction <maximumf>, %select_n3A_44, %reduce_max3A_45 [1] : vector<256x1000xf32> to vector<256xf32>
    %broadcast_in_dim3A_47 = vector.shape_cast %reduce_max3A_46 : vector<256xf32> to vector<256x1xf32>
    %jit3A_48 = arith.constant 0xFF800000 : f32
    %broadcast_in_dim3A_49 = vector.broadcast %jit3A_48 : f32 to vector<256x1000xf32>
    %select_n3A_50 = arith.select %lt3A_3, %get3A_38, %broadcast_in_dim3A_49 : vector<256x1000xi1>, vector<256x1000xf32>
    %reduce_max3A_51 = arith.constant dense<0xFF800000> : vector<256xf32>
    %reduce_max3A_52 = vector.multi_reduction <maximumf>, %select_n3A_50, %reduce_max3A_51 [1] : vector<256x1000xf32> to vector<256xf32>
    %broadcast_in_dim3A_53 = vector.shape_cast %reduce_max3A_52 : vector<256xf32> to vector<256x1xf32>
    %ge3A_54 = arith.cmpf oge, %broadcast_in_dim3A_47, %broadcast_in_dim3A_41 : vector<256x1xf32>
    %lt3A_55 = arith.cmpf olt, %broadcast_in_dim3A_53, %broadcast_in_dim3A_41 : vector<256x1xf32>
    %and3A_56 = arith.andi %ge3A_54, %lt3A_55 : vector<256x1xi1>
    %eq3A_57 = arith.constant 8 : i32
    %eq3A_58 = vector.broadcast %eq3A_57 : i32 to vector<256x1xi32>
    %eq3A_59 = arith.cmpi eq, %select_n3A_31, %eq3A_58 : vector<256x1xi32>
    %and3A_60 = arith.andi %eq3A_59, %and3A_56 : vector<256x1xi1>
    %jit3A_61 = arith.constant 1 : i32
    %broadcast_in_dim3A_62 = vector.broadcast %jit3A_61 : i32 to vector<256x1xi32>
    %select_n3A_63 = arith.select %and3A_60, %broadcast_in_dim3A_62, %select_n3A_31 : vector<256x1xi1>, vector<256x1xi32>
    %gt3A_64 = arith.cmpf ogt, %broadcast_in_dim3A_47, %select_n3A_35 : vector<256x1xf32>
    %jit3A_65 = arith.constant 1 : i32
    %broadcast_in_dim3A_66 = vector.broadcast %jit3A_65 : i32 to vector<256x1xi32>
    %select_n3A_67 = arith.select %gt3A_64, %broadcast_in_dim3A_66, %select_n3A_34 : vector<256x1xi1>, vector<256x1xi32>
    %select_n3A_68 = arith.select %gt3A_64, %broadcast_in_dim3A_47, %select_n3A_35 : vector<256x1xi1>, vector<256x1xf32>
    %get3A_69 = arith.constant 0 : index
    %get3A_70 = arith.constant 0 : index
    %get3A_71 = vector.load %arg4[%get3A_69, %get3A_70] : memref<256x1000xf32, #tpu.memory_space<vmem>>, vector<256x1000xf32>
    %reduce_max3A_72 = arith.constant dense<0xFF800000> : vector<256xf32>
    %reduce_max3A_73 = vector.multi_reduction <maximumf>, %get3A_71, %reduce_max3A_72 [1] : vector<256x1000xf32> to vector<256xf32>
    %broadcast_in_dim3A_74 = vector.shape_cast %reduce_max3A_73 : vector<256xf32> to vector<256x1xf32>
    %jit3A_75 = arith.constant 0xFF800000 : f32
    %broadcast_in_dim3A_76 = vector.broadcast %jit3A_75 : f32 to vector<256x1000xf32>
    %select_n3A_77 = arith.select %eq3A_2, %get3A_71, %broadcast_in_dim3A_76 : vector<256x1000xi1>, vector<256x1000xf32>
    %reduce_max3A_78 = arith.constant dense<0xFF800000> : vector<256xf32>
    %reduce_max3A_79 = vector.multi_reduction <maximumf>, %select_n3A_77, %reduce_max3A_78 [1] : vector<256x1000xf32> to vector<256xf32>
    %broadcast_in_dim3A_80 = vector.shape_cast %reduce_max3A_79 : vector<256xf32> to vector<256x1xf32>
    %jit3A_81 = arith.constant 0xFF800000 : f32
    %broadcast_in_dim3A_82 = vector.broadcast %jit3A_81 : f32 to vector<256x1000xf32>
    %select_n3A_83 = arith.select %lt3A_3, %get3A_71, %broadcast_in_dim3A_82 : vector<256x1000xi1>, vector<256x1000xf32>
    %reduce_max3A_84 = arith.constant dense<0xFF800000> : vector<256xf32>
    %reduce_max3A_85 = vector.multi_reduction <maximumf>, %select_n3A_83, %reduce_max3A_84 [1] : vector<256x1000xf32> to vector<256xf32>
    %broadcast_in_dim3A_86 = vector.shape_cast %reduce_max3A_85 : vector<256xf32> to vector<256x1xf32>
    %ge3A_87 = arith.cmpf oge, %broadcast_in_dim3A_80, %broadcast_in_dim3A_74 : vector<256x1xf32>
    %lt3A_88 = arith.cmpf olt, %broadcast_in_dim3A_86, %broadcast_in_dim3A_74 : vector<256x1xf32>
    %and3A_89 = arith.andi %ge3A_87, %lt3A_88 : vector<256x1xi1>
    %eq3A_90 = arith.constant 8 : i32
    %eq3A_91 = vector.broadcast %eq3A_90 : i32 to vector<256x1xi32>
    %eq3A_92 = arith.cmpi eq, %select_n3A_63, %eq3A_91 : vector<256x1xi32>
    %and3A_93 = arith.andi %eq3A_92, %and3A_89 : vector<256x1xi1>
    %jit3A_94 = arith.constant 2 : i32
    %broadcast_in_dim3A_95 = vector.broadcast %jit3A_94 : i32 to vector<256x1xi32>
    %select_n3A_96 = arith.select %and3A_93, %broadcast_in_dim3A_95, %select_n3A_63 : vector<256x1xi1>, vector<256x1xi32>
    %gt3A_97 = arith.cmpf ogt, %broadcast_in_dim3A_80, %select_n3A_68 : vector<256x1xf32>
    %jit3A_98 = arith.constant 2 : i32
    %broadcast_in_dim3A_99 = vector.broadcast %jit3A_98 : i32 to vector<256x1xi32>
    %select_n3A_100 = arith.select %gt3A_97, %broadcast_in_dim3A_99, %select_n3A_67 : vector<256x1xi1>, vector<256x1xi32>
    %select_n3A_101 = arith.select %gt3A_97, %broadcast_in_dim3A_80, %select_n3A_68 : vector<256x1xi1>, vector<256x1xf32>
    %get3A_102 = arith.constant 0 : index
    %get3A_103 = arith.constant 0 : index
    %get3A_104 = vector.load %arg5[%get3A_102, %get3A_103] : memref<256x1000xf32, #tpu.memory_space<vmem>>, vector<256x1000xf32>
    %reduce_max3A_105 = arith.constant dense<0xFF800000> : vector<256xf32>
    %reduce_max3A_106 = vector.multi_reduction <maximumf>, %get3A_104, %reduce_max3A_105 [1] : vector<256x1000xf32> to vector<256xf32>
    %broadcast_in_dim3A_107 = vector.shape_cast %reduce_max3A_106 : vector<256xf32> to vector<256x1xf32>
    %jit3A_108 = arith.constant 0xFF800000 : f32
    %broadcast_in_dim3A_109 = vector.broadcast %jit3A_108 : f32 to vector<256x1000xf32>
    %select_n3A_110 = arith.select %eq3A_2, %get3A_104, %broadcast_in_dim3A_109 : vector<256x1000xi1>, vector<256x1000xf32>
    %reduce_max3A_111 = arith.constant dense<0xFF800000> : vector<256xf32>
    %reduce_max3A_112 = vector.multi_reduction <maximumf>, %select_n3A_110, %reduce_max3A_111 [1] : vector<256x1000xf32> to vector<256xf32>
    %broadcast_in_dim3A_113 = vector.shape_cast %reduce_max3A_112 : vector<256xf32> to vector<256x1xf32>
    %jit3A_114 = arith.constant 0xFF800000 : f32
    %broadcast_in_dim3A_115 = vector.broadcast %jit3A_114 : f32 to vector<256x1000xf32>
    %select_n3A_116 = arith.select %lt3A_3, %get3A_104, %broadcast_in_dim3A_115 : vector<256x1000xi1>, vector<256x1000xf32>
    %reduce_max3A_117 = arith.constant dense<0xFF800000> : vector<256xf32>
    %reduce_max3A_118 = vector.multi_reduction <maximumf>, %select_n3A_116, %reduce_max3A_117 [1] : vector<256x1000xf32> to vector<256xf32>
    %broadcast_in_dim3A_119 = vector.shape_cast %reduce_max3A_118 : vector<256xf32> to vector<256x1xf32>
    %ge3A_120 = arith.cmpf oge, %broadcast_in_dim3A_113, %broadcast_in_dim3A_107 : vector<256x1xf32>
    %lt3A_121 = arith.cmpf olt, %broadcast_in_dim3A_119, %broadcast_in_dim3A_107 : vector<256x1xf32>
    %and3A_122 = arith.andi %ge3A_120, %lt3A_121 : vector<256x1xi1>
    %eq3A_123 = arith.constant 8 : i32
    %eq3A_124 = vector.broadcast %eq3A_123 : i32 to vector<256x1xi32>
    %eq3A_125 = arith.cmpi eq, %select_n3A_96, %eq3A_124 : vector<256x1xi32>
    %and3A_126 = arith.andi %eq3A_125, %and3A_122 : vector<256x1xi1>
    %jit3A_127 = arith.constant 3 : i32
    %broadcast_in_dim3A_128 = vector.broadcast %jit3A_127 : i32 to vector<256x1xi32>
    %select_n3A_129 = arith.select %and3A_126, %broadcast_in_dim3A_128, %select_n3A_96 : vector<256x1xi1>, vector<256x1xi32>
    %gt3A_130 = arith.cmpf ogt, %broadcast_in_dim3A_113, %select_n3A_101 : vector<256x1xf32>
    %jit3A_131 = arith.constant 3 : i32
    %broadcast_in_dim3A_132 = vector.broadcast %jit3A_131 : i32 to vector<256x1xi32>
    %select_n3A_133 = arith.select %gt3A_130, %broadcast_in_dim3A_132, %select_n3A_100 : vector<256x1xi1>, vector<256x1xi32>
    %select_n3A_134 = arith.select %gt3A_130, %broadcast_in_dim3A_113, %select_n3A_101 : vector<256x1xi1>, vector<256x1xf32>
    %get3A_135 = arith.constant 0 : index
    %get3A_136 = arith.constant 0 : index
    %get3A_137 = vector.load %arg6[%get3A_135, %get3A_136] : memref<256x1000xf32, #tpu.memory_space<vmem>>, vector<256x1000xf32>
    %reduce_max3A_138 = arith.constant dense<0xFF800000> : vector<256xf32>
    %reduce_max3A_139 = vector.multi_reduction <maximumf>, %get3A_137, %reduce_max3A_138 [1] : vector<256x1000xf32> to vector<256xf32>
    %broadcast_in_dim3A_140 = vector.shape_cast %reduce_max3A_139 : vector<256xf32> to vector<256x1xf32>
    %jit3A_141 = arith.constant 0xFF800000 : f32
    %broadcast_in_dim3A_142 = vector.broadcast %jit3A_141 : f32 to vector<256x1000xf32>
    %select_n3A_143 = arith.select %eq3A_2, %get3A_137, %broadcast_in_dim3A_142 : vector<256x1000xi1>, vector<256x1000xf32>
    %reduce_max3A_144 = arith.constant dense<0xFF800000> : vector<256xf32>
    %reduce_max3A_145 = vector.multi_reduction <maximumf>, %select_n3A_143, %reduce_max3A_144 [1] : vector<256x1000xf32> to vector<256xf32>
    %broadcast_in_dim3A_146 = vector.shape_cast %reduce_max3A_145 : vector<256xf32> to vector<256x1xf32>
    %jit3A_147 = arith.constant 0xFF800000 : f32
    %broadcast_in_dim3A_148 = vector.broadcast %jit3A_147 : f32 to vector<256x1000xf32>
    %select_n3A_149 = arith.select %lt3A_3, %get3A_137, %broadcast_in_dim3A_148 : vector<256x1000xi1>, vector<256x1000xf32>
    %reduce_max3A_150 = arith.constant dense<0xFF800000> : vector<256xf32>
    %reduce_max3A_151 = vector.multi_reduction <maximumf>, %select_n3A_149, %reduce_max3A_150 [1] : vector<256x1000xf32> to vector<256xf32>
    %broadcast_in_dim3A_152 = vector.shape_cast %reduce_max3A_151 : vector<256xf32> to vector<256x1xf32>
    %ge3A_153 = arith.cmpf oge, %broadcast_in_dim3A_146, %broadcast_in_dim3A_140 : vector<256x1xf32>
    %lt3A_154 = arith.cmpf olt, %broadcast_in_dim3A_152, %broadcast_in_dim3A_140 : vector<256x1xf32>
    %and3A_155 = arith.andi %ge3A_153, %lt3A_154 : vector<256x1xi1>
    %eq3A_156 = arith.constant 8 : i32
    %eq3A_157 = vector.broadcast %eq3A_156 : i32 to vector<256x1xi32>
    %eq3A_158 = arith.cmpi eq, %select_n3A_129, %eq3A_157 : vector<256x1xi32>
    %and3A_159 = arith.andi %eq3A_158, %and3A_155 : vector<256x1xi1>
    %jit3A_160 = arith.constant 4 : i32
    %broadcast_in_dim3A_161 = vector.broadcast %jit3A_160 : i32 to vector<256x1xi32>
    %select_n3A_162 = arith.select %and3A_159, %broadcast_in_dim3A_161, %select_n3A_129 : vector<256x1xi1>, vector<256x1xi32>
    %gt3A_163 = arith.cmpf ogt, %broadcast_in_dim3A_146, %select_n3A_134 : vector<256x1xf32>
    %jit3A_164 = arith.constant 4 : i32
    %broadcast_in_dim3A_165 = vector.broadcast %jit3A_164 : i32 to vector<256x1xi32>
    %select_n3A_166 = arith.select %gt3A_163, %broadcast_in_dim3A_165, %select_n3A_133 : vector<256x1xi1>, vector<256x1xi32>
    %select_n3A_167 = arith.select %gt3A_163, %broadcast_in_dim3A_146, %select_n3A_134 : vector<256x1xi1>, vector<256x1xf32>
    %get3A_168 = arith.constant 0 : index
    %get3A_169 = arith.constant 0 : index
    %get3A_170 = vector.load %arg7[%get3A_168, %get3A_169] : memref<256x1000xf32, #tpu.memory_space<vmem>>, vector<256x1000xf32>
    %reduce_max3A_171 = arith.constant dense<0xFF800000> : vector<256xf32>
    %reduce_max3A_172 = vector.multi_reduction <maximumf>, %get3A_170, %reduce_max3A_171 [1] : vector<256x1000xf32> to vector<256xf32>
    %broadcast_in_dim3A_173 = vector.shape_cast %reduce_max3A_172 : vector<256xf32> to vector<256x1xf32>
    %jit3A_174 = arith.constant 0xFF800000 : f32
    %broadcast_in_dim3A_175 = vector.broadcast %jit3A_174 : f32 to vector<256x1000xf32>
    %select_n3A_176 = arith.select %eq3A_2, %get3A_170, %broadcast_in_dim3A_175 : vector<256x1000xi1>, vector<256x1000xf32>
    %reduce_max3A_177 = arith.constant dense<0xFF800000> : vector<256xf32>
    %reduce_max3A_178 = vector.multi_reduction <maximumf>, %select_n3A_176, %reduce_max3A_177 [1] : vector<256x1000xf32> to vector<256xf32>
    %broadcast_in_dim3A_179 = vector.shape_cast %reduce_max3A_178 : vector<256xf32> to vector<256x1xf32>
    %jit3A_180 = arith.constant 0xFF800000 : f32
    %broadcast_in_dim3A_181 = vector.broadcast %jit3A_180 : f32 to vector<256x1000xf32>
    %select_n3A_182 = arith.select %lt3A_3, %get3A_170, %broadcast_in_dim3A_181 : vector<256x1000xi1>, vector<256x1000xf32>
    %reduce_max3A_183 = arith.constant dense<0xFF800000> : vector<256xf32>
    %reduce_max3A_184 = vector.multi_reduction <maximumf>, %select_n3A_182, %reduce_max3A_183 [1] : vector<256x1000xf32> to vector<256xf32>
    %broadcast_in_dim3A_185 = vector.shape_cast %reduce_max3A_184 : vector<256xf32> to vector<256x1xf32>
    %ge3A_186 = arith.cmpf oge, %broadcast_in_dim3A_179, %broadcast_in_dim3A_173 : vector<256x1xf32>
    %lt3A_187 = arith.cmpf olt, %broadcast_in_dim3A_185, %broadcast_in_dim3A_173 : vector<256x1xf32>
    %and3A_188 = arith.andi %ge3A_186, %lt3A_187 : vector<256x1xi1>
    %eq3A_189 = arith.constant 8 : i32
    %eq3A_190 = vector.broadcast %eq3A_189 : i32 to vector<256x1xi32>
    %eq3A_191 = arith.cmpi eq, %select_n3A_162, %eq3A_190 : vector<256x1xi32>
    %and3A_192 = arith.andi %eq3A_191, %and3A_188 : vector<256x1xi1>
    %jit3A_193 = arith.constant 5 : i32
    %broadcast_in_dim3A_194 = vector.broadcast %jit3A_193 : i32 to vector<256x1xi32>
    %select_n3A_195 = arith.select %and3A_192, %broadcast_in_dim3A_194, %select_n3A_162 : vector<256x1xi1>, vector<256x1xi32>
    %gt3A_196 = arith.cmpf ogt, %broadcast_in_dim3A_179, %select_n3A_167 : vector<256x1xf32>
    %jit3A_197 = arith.constant 5 : i32
    %broadcast_in_dim3A_198 = vector.broadcast %jit3A_197 : i32 to vector<256x1xi32>
    %select_n3A_199 = arith.select %gt3A_196, %broadcast_in_dim3A_198, %select_n3A_166 : vector<256x1xi1>, vector<256x1xi32>
    %select_n3A_200 = arith.select %gt3A_196, %broadcast_in_dim3A_179, %select_n3A_167 : vector<256x1xi1>, vector<256x1xf32>
    %get3A_201 = arith.constant 0 : index
    %get3A_202 = arith.constant 0 : index
    %get3A_203 = vector.load %arg8[%get3A_201, %get3A_202] : memref<256x1000xf32, #tpu.memory_space<vmem>>, vector<256x1000xf32>
    %reduce_max3A_204 = arith.constant dense<0xFF800000> : vector<256xf32>
    %reduce_max3A_205 = vector.multi_reduction <maximumf>, %get3A_203, %reduce_max3A_204 [1] : vector<256x1000xf32> to vector<256xf32>
    %broadcast_in_dim3A_206 = vector.shape_cast %reduce_max3A_205 : vector<256xf32> to vector<256x1xf32>
    %jit3A_207 = arith.constant 0xFF800000 : f32
    %broadcast_in_dim3A_208 = vector.broadcast %jit3A_207 : f32 to vector<256x1000xf32>
    %select_n3A_209 = arith.select %eq3A_2, %get3A_203, %broadcast_in_dim3A_208 : vector<256x1000xi1>, vector<256x1000xf32>
    %reduce_max3A_210 = arith.constant dense<0xFF800000> : vector<256xf32>
    %reduce_max3A_211 = vector.multi_reduction <maximumf>, %select_n3A_209, %reduce_max3A_210 [1] : vector<256x1000xf32> to vector<256xf32>
    %broadcast_in_dim3A_212 = vector.shape_cast %reduce_max3A_211 : vector<256xf32> to vector<256x1xf32>
    %jit3A_213 = arith.constant 0xFF800000 : f32
    %broadcast_in_dim3A_214 = vector.broadcast %jit3A_213 : f32 to vector<256x1000xf32>
    %select_n3A_215 = arith.select %lt3A_3, %get3A_203, %broadcast_in_dim3A_214 : vector<256x1000xi1>, vector<256x1000xf32>
    %reduce_max3A_216 = arith.constant dense<0xFF800000> : vector<256xf32>
    %reduce_max3A_217 = vector.multi_reduction <maximumf>, %select_n3A_215, %reduce_max3A_216 [1] : vector<256x1000xf32> to vector<256xf32>
    %broadcast_in_dim3A_218 = vector.shape_cast %reduce_max3A_217 : vector<256xf32> to vector<256x1xf32>
    %ge3A_219 = arith.cmpf oge, %broadcast_in_dim3A_212, %broadcast_in_dim3A_206 : vector<256x1xf32>
    %lt3A_220 = arith.cmpf olt, %broadcast_in_dim3A_218, %broadcast_in_dim3A_206 : vector<256x1xf32>
    %and3A_221 = arith.andi %ge3A_219, %lt3A_220 : vector<256x1xi1>
    %eq3A_222 = arith.constant 8 : i32
    %eq3A_223 = vector.broadcast %eq3A_222 : i32 to vector<256x1xi32>
    %eq3A_224 = arith.cmpi eq, %select_n3A_195, %eq3A_223 : vector<256x1xi32>
    %and3A_225 = arith.andi %eq3A_224, %and3A_221 : vector<256x1xi1>
    %jit3A_226 = arith.constant 6 : i32
    %broadcast_in_dim3A_227 = vector.broadcast %jit3A_226 : i32 to vector<256x1xi32>
    %select_n3A_228 = arith.select %and3A_225, %broadcast_in_dim3A_227, %select_n3A_195 : vector<256x1xi1>, vector<256x1xi32>
    %gt3A_229 = arith.cmpf ogt, %broadcast_in_dim3A_212, %select_n3A_200 : vector<256x1xf32>
    %jit3A_230 = arith.constant 6 : i32
    %broadcast_in_dim3A_231 = vector.broadcast %jit3A_230 : i32 to vector<256x1xi32>
    %select_n3A_232 = arith.select %gt3A_229, %broadcast_in_dim3A_231, %select_n3A_199 : vector<256x1xi1>, vector<256x1xi32>
    %select_n3A_233 = arith.select %gt3A_229, %broadcast_in_dim3A_212, %select_n3A_200 : vector<256x1xi1>, vector<256x1xf32>
    %get3A_234 = arith.constant 0 : index
    %get3A_235 = arith.constant 0 : index
    %get3A_236 = vector.load %arg9[%get3A_234, %get3A_235] : memref<256x1000xf32, #tpu.memory_space<vmem>>, vector<256x1000xf32>
    %reduce_max3A_237 = arith.constant dense<0xFF800000> : vector<256xf32>
    %reduce_max3A_238 = vector.multi_reduction <maximumf>, %get3A_236, %reduce_max3A_237 [1] : vector<256x1000xf32> to vector<256xf32>
    %broadcast_in_dim3A_239 = vector.shape_cast %reduce_max3A_238 : vector<256xf32> to vector<256x1xf32>
    %jit3A_240 = arith.constant 0xFF800000 : f32
    %broadcast_in_dim3A_241 = vector.broadcast %jit3A_240 : f32 to vector<256x1000xf32>
    %select_n3A_242 = arith.select %eq3A_2, %get3A_236, %broadcast_in_dim3A_241 : vector<256x1000xi1>, vector<256x1000xf32>
    %reduce_max3A_243 = arith.constant dense<0xFF800000> : vector<256xf32>
    %reduce_max3A_244 = vector.multi_reduction <maximumf>, %select_n3A_242, %reduce_max3A_243 [1] : vector<256x1000xf32> to vector<256xf32>
    %broadcast_in_dim3A_245 = vector.shape_cast %reduce_max3A_244 : vector<256xf32> to vector<256x1xf32>
    %jit3A_246 = arith.constant 0xFF800000 : f32
    %broadcast_in_dim3A_247 = vector.broadcast %jit3A_246 : f32 to vector<256x1000xf32>
    %select_n3A_248 = arith.select %lt3A_3, %get3A_236, %broadcast_in_dim3A_247 : vector<256x1000xi1>, vector<256x1000xf32>
    %reduce_max3A_249 = arith.constant dense<0xFF800000> : vector<256xf32>
    %reduce_max3A_250 = vector.multi_reduction <maximumf>, %select_n3A_248, %reduce_max3A_249 [1] : vector<256x1000xf32> to vector<256xf32>
    %broadcast_in_dim3A_251 = vector.shape_cast %reduce_max3A_250 : vector<256xf32> to vector<256x1xf32>
    %ge3A_252 = arith.cmpf oge, %broadcast_in_dim3A_245, %broadcast_in_dim3A_239 : vector<256x1xf32>
    %lt3A_253 = arith.cmpf olt, %broadcast_in_dim3A_251, %broadcast_in_dim3A_239 : vector<256x1xf32>
    %and3A_254 = arith.andi %ge3A_252, %lt3A_253 : vector<256x1xi1>
    %eq3A_255 = arith.constant 8 : i32
    %eq3A_256 = vector.broadcast %eq3A_255 : i32 to vector<256x1xi32>
    %eq3A_257 = arith.cmpi eq, %select_n3A_228, %eq3A_256 : vector<256x1xi32>
    %and3A_258 = arith.andi %eq3A_257, %and3A_254 : vector<256x1xi1>
    %jit3A_259 = arith.constant 7 : i32
    %broadcast_in_dim3A_260 = vector.broadcast %jit3A_259 : i32 to vector<256x1xi32>
    %select_n3A_261 = arith.select %and3A_258, %broadcast_in_dim3A_260, %select_n3A_228 : vector<256x1xi1>, vector<256x1xi32>
    %gt3A_262 = arith.cmpf ogt, %broadcast_in_dim3A_245, %select_n3A_233 : vector<256x1xf32>
    %jit3A_263 = arith.constant 7 : i32
    %broadcast_in_dim3A_264 = vector.broadcast %jit3A_263 : i32 to vector<256x1xi32>
    %select_n3A_265 = arith.select %gt3A_262, %broadcast_in_dim3A_264, %select_n3A_232 : vector<256x1xi1>, vector<256x1xi32>
    %lt3A_266 = arith.constant 8 : i32
    %lt3A_267 = vector.broadcast %lt3A_266 : i32 to vector<256x1xi32>
    %lt3A_268 = arith.cmpi slt, %select_n3A_261, %lt3A_267 : vector<256x1xi32>
    %select_n3A_269 = arith.select %lt3A_268, %select_n3A_261, %select_n3A_265 : vector<256x1xi1>, vector<256x1xi32>
    %get3A_270 = arith.constant 0 : index
    %get3A_271 = arith.constant 0 : index
    %get3A_272 = vector.load %arg2[%get3A_270, %get3A_271] : memref<256x1000xf32, #tpu.memory_space<vmem>>, vector<256x1000xf32>
    %eq3A_273 = arith.constant 1 : i32
    %eq3A_274 = vector.broadcast %eq3A_273 : i32 to vector<256x1xi32>
    %eq3A_275 = arith.cmpi eq, %select_n3A_269, %eq3A_274 : vector<256x1xi32>
    %get3A_276 = arith.constant 0 : index
    %get3A_277 = arith.constant 0 : index
    %get3A_278 = vector.load %arg3[%get3A_276, %get3A_277] : memref<256x1000xf32, #tpu.memory_space<vmem>>, vector<256x1000xf32>
    %broadcast_in_dim3A_279 = vector.shape_cast %eq3A_275 : vector<256x1xi1> to vector<256x1xi1>
    %broadcast_in_dim3A_280 = vector.broadcast %broadcast_in_dim3A_279 : vector<256x1xi1> to vector<256x1000xi1>
    %select_n3A_281 = arith.select %broadcast_in_dim3A_280, %get3A_278, %get3A_272 : vector<256x1000xi1>, vector<256x1000xf32>
    %eq3A_282 = arith.constant 2 : i32
    %eq3A_283 = vector.broadcast %eq3A_282 : i32 to vector<256x1xi32>
    %eq3A_284 = arith.cmpi eq, %select_n3A_269, %eq3A_283 : vector<256x1xi32>
    %get3A_285 = arith.constant 0 : index
    %get3A_286 = arith.constant 0 : index
    %get3A_287 = vector.load %arg4[%get3A_285, %get3A_286] : memref<256x1000xf32, #tpu.memory_space<vmem>>, vector<256x1000xf32>
    %broadcast_in_dim3A_288 = vector.shape_cast %eq3A_284 : vector<256x1xi1> to vector<256x1xi1>
    %broadcast_in_dim3A_289 = vector.broadcast %broadcast_in_dim3A_288 : vector<256x1xi1> to vector<256x1000xi1>
    %select_n3A_290 = arith.select %broadcast_in_dim3A_289, %get3A_287, %select_n3A_281 : vector<256x1000xi1>, vector<256x1000xf32>
    %eq3A_291 = arith.constant 3 : i32
    %eq3A_292 = vector.broadcast %eq3A_291 : i32 to vector<256x1xi32>
    %eq3A_293 = arith.cmpi eq, %select_n3A_269, %eq3A_292 : vector<256x1xi32>
    %get3A_294 = arith.constant 0 : index
    %get3A_295 = arith.constant 0 : index
    %get3A_296 = vector.load %arg5[%get3A_294, %get3A_295] : memref<256x1000xf32, #tpu.memory_space<vmem>>, vector<256x1000xf32>
    %broadcast_in_dim3A_297 = vector.shape_cast %eq3A_293 : vector<256x1xi1> to vector<256x1xi1>
    %broadcast_in_dim3A_298 = vector.broadcast %broadcast_in_dim3A_297 : vector<256x1xi1> to vector<256x1000xi1>
    %select_n3A_299 = arith.select %broadcast_in_dim3A_298, %get3A_296, %select_n3A_290 : vector<256x1000xi1>, vector<256x1000xf32>
    %eq3A_300 = arith.constant 4 : i32
    %eq3A_301 = vector.broadcast %eq3A_300 : i32 to vector<256x1xi32>
    %eq3A_302 = arith.cmpi eq, %select_n3A_269, %eq3A_301 : vector<256x1xi32>
    %get3A_303 = arith.constant 0 : index
    %get3A_304 = arith.constant 0 : index
    %get3A_305 = vector.load %arg6[%get3A_303, %get3A_304] : memref<256x1000xf32, #tpu.memory_space<vmem>>, vector<256x1000xf32>
    %broadcast_in_dim3A_306 = vector.shape_cast %eq3A_302 : vector<256x1xi1> to vector<256x1xi1>
    %broadcast_in_dim3A_307 = vector.broadcast %broadcast_in_dim3A_306 : vector<256x1xi1> to vector<256x1000xi1>
    %select_n3A_308 = arith.select %broadcast_in_dim3A_307, %get3A_305, %select_n3A_299 : vector<256x1000xi1>, vector<256x1000xf32>
    %eq3A_309 = arith.constant 5 : i32
    %eq3A_310 = vector.broadcast %eq3A_309 : i32 to vector<256x1xi32>
    %eq3A_311 = arith.cmpi eq, %select_n3A_269, %eq3A_310 : vector<256x1xi32>
    %get3A_312 = arith.constant 0 : index
    %get3A_313 = arith.constant 0 : index
    %get3A_314 = vector.load %arg7[%get3A_312, %get3A_313] : memref<256x1000xf32, #tpu.memory_space<vmem>>, vector<256x1000xf32>
    %broadcast_in_dim3A_315 = vector.shape_cast %eq3A_311 : vector<256x1xi1> to vector<256x1xi1>
    %broadcast_in_dim3A_316 = vector.broadcast %broadcast_in_dim3A_315 : vector<256x1xi1> to vector<256x1000xi1>
    %select_n3A_317 = arith.select %broadcast_in_dim3A_316, %get3A_314, %select_n3A_308 : vector<256x1000xi1>, vector<256x1000xf32>
    %eq3A_318 = arith.constant 6 : i32
    %eq3A_319 = vector.broadcast %eq3A_318 : i32 to vector<256x1xi32>
    %eq3A_320 = arith.cmpi eq, %select_n3A_269, %eq3A_319 : vector<256x1xi32>
    %get3A_321 = arith.constant 0 : index
    %get3A_322 = arith.constant 0 : index
    %get3A_323 = vector.load %arg8[%get3A_321, %get3A_322] : memref<256x1000xf32, #tpu.memory_space<vmem>>, vector<256x1000xf32>
    %broadcast_in_dim3A_324 = vector.shape_cast %eq3A_320 : vector<256x1xi1> to vector<256x1xi1>
    %broadcast_in_dim3A_325 = vector.broadcast %broadcast_in_dim3A_324 : vector<256x1xi1> to vector<256x1000xi1>
    %select_n3A_326 = arith.select %broadcast_in_dim3A_325, %get3A_323, %select_n3A_317 : vector<256x1000xi1>, vector<256x1000xf32>
    %eq3A_327 = arith.constant 7 : i32
    %eq3A_328 = vector.broadcast %eq3A_327 : i32 to vector<256x1xi32>
    %eq3A_329 = arith.cmpi eq, %select_n3A_269, %eq3A_328 : vector<256x1xi32>
    %get3A_330 = arith.constant 0 : index
    %get3A_331 = arith.constant 0 : index
    %get3A_332 = vector.load %arg9[%get3A_330, %get3A_331] : memref<256x1000xf32, #tpu.memory_space<vmem>>, vector<256x1000xf32>
    %broadcast_in_dim3A_333 = vector.shape_cast %eq3A_329 : vector<256x1xi1> to vector<256x1xi1>
    %broadcast_in_dim3A_334 = vector.broadcast %broadcast_in_dim3A_333 : vector<256x1xi1> to vector<256x1000xi1>
    %select_n3A_335 = arith.select %broadcast_in_dim3A_334, %get3A_332, %select_n3A_326 : vector<256x1000xi1>, vector<256x1000xf32>
    %swap3A = arith.constant 0 : index
    %swap3A_336 = arith.constant 0 : index
    %swap3A_337 = vector.load %arg10[%swap3A, %swap3A_336] : memref<256x1000xf32, #tpu.memory_space<vmem>>, vector<256x1000xf32>
    tpu.vector_store %arg10[%swap3A, %swap3A_336], %select_n3A_335 {strides = array<i32>} : memref<256x1000xf32, #tpu.memory_space<vmem>>, vector<256x1000xf32>,
    return
  }
  func.func @transform_0(%arg0: i32) -> (i32, i32) {
    %add3A = arith.constant 2 : i32
    %add3A_0 = arith.addi %arg0, %add3A : i32
    %c0_i32 = arith.constant 0 : i32
    %c0_i32_1 = arith.constant 0 : i32
    return %add3A_0, %c0_i32 : i32, i32
  }
  func.func @transform_1(%arg0: i32) -> (i32, i32) {
    %add3A = arith.constant 2 : i32
    %add3A_0 = arith.addi %arg0, %add3A : i32
    %c0_i32 = arith.constant 0 : i32
    %c0_i32_1 = arith.constant 0 : i32
    return %add3A_0, %c0_i32 : i32, i32
  }
  func.func @transform_2(%arg0: i32) -> (i32, i32) {
    %add3A = arith.constant 2 : i32
    %add3A_0 = arith.addi %arg0, %add3A : i32
    %c0_i32 = arith.constant 0 : i32
    %c0_i32_1 = arith.constant 0 : i32
    return %add3A_0, %c0_i32 : i32, i32
  }
  func.func @transform_3(%arg0: i32) -> (i32, i32) {
    %add3A = arith.constant 2 : i32
    %add3A_0 = arith.addi %arg0, %add3A : i32
    %c0_i32 = arith.constant 0 : i32
    %c0_i32_1 = arith.constant 0 : i32
    return %add3A_0, %c0_i32 : i32, i32
  }
  func.func @transform_4(%arg0: i32) -> (i32, i32) {
    %add3A = arith.constant 2 : i32
    %add3A_0 = arith.addi %arg0, %add3A : i32
    %c0_i32 = arith.constant 0 : i32
    %c0_i32_1 = arith.constant 0 : i32
    return %add3A_0, %c0_i32 : i32, i32
  }
  func.func @transform_5(%arg0: i32) -> (i32, i32) {
    %add3A = arith.constant 2 : i32
    %add3A_0 = arith.addi %arg0, %add3A : i32
    %c0_i32 = arith.constant 0 : i32
    %c0_i32_1 = arith.constant 0 : i32
    return %add3A_0, %c0_i32 : i32, i32
  }
  func.func @transform_6(%arg0: i32) -> (i32, i32) {
    %add3A = arith.constant 2 : i32
    %add3A_0 = arith.addi %arg0, %add3A : i32
    %c0_i32 = arith.constant 0 : i32
    %c0_i32_1 = arith.constant 0 : i32
    return %add3A_0, %c0_i32 : i32, i32
  }
  func.func @transform_7(%arg0: i32) -> (i32, i32) {
    %add3A = arith.constant 2 : i32
    %add3A_0 = arith.addi %arg0, %add3A : i32
    %c0_i32 = arith.constant 0 : i32
    %c0_i32_1 = arith.constant 0 : i32
    return %add3A_0, %c0_i32 : i32, i32
  }
  func.func @transform_8(%arg0: i32) -> (i32, i32) {
    %add3A = arith.constant 2 : i32
    %add3A_0 = arith.addi %arg0, %add3A : i32
    %c0_i32 = arith.constant 0 : i32
    %c0_i32_1 = arith.constant 0 : i32
    return %add3A_0, %c0_i32 : i32, i32
  }
  func.func @transform_9(%arg0: i32) -> (i32, i32) {
    %c0_i32 = arith.constant 0 : i32
    %c0_i32_0 = arith.constant 0 : i32
    return %arg0, %c0_i32 : i32, i32
  }
}

</mosaic_0001>

<sc_bundles>
// kernel: kernel.4.cloned.1.call-start
scs
__scs_entry_jumppad:
0x0: {  	(pc) =	sbr.rel $0x88, $3  }
0x1: {  	(tag) =	ssettag $0x0;
	lr =	simm.s32 $0x1  }
0x2: {  	[smem:$0x3F98] =	sst lr;
	_ =	strace $0xD0000000  }
0x3: {  	_ = 	snop  }
0x4: {  	_ = 	snop  }
0x5: {  	_ = 	snop  }
0x6: {  	_ = 	snop  }
0x7: {  	_ = 	snop  }
__scs_overlays_trampoline_lowered:
0x8: {  	[smem:$0x3FA7] =	sst s0  }
0x9: {  	[smem:$0x3FA8] =	sst s1  }
0xa: {  	[smem:$0x3FA9] =	sst s2  }
0xb: {  	[smem:$0x3FAA] =	sst s3  }
0xc: {  	[smem:$0x3FAB] =	sst s4  }
0xd: {  	[smem:$0x3FAC] =	sst s5  }
0xe: {  	[smem:$0x3FAD] =	sst s6  }
0xf: {  	[smem:$0x3FAE] =	sst s7  }
0x10: {  	[smem:$0x3FAF] =	sst s8  }
0x11: {  	[smem:$0x3FB0] =	sst s9;
	s0 =	simm.s32 @!p0 $0x0  }
0x12: {  	s1 =	sld [smem:$0x3F96];
	s0 =	simm.s32 @p0 $0x1  }
0x13: {  	[smem:$0x3FB1] =	sst s0;
	s0 =	simm.s32 @!p1 $0x0  }
0x14: {  	s2 =	sld [smem:$0x3F95];
	s0 =	simm.s32 @p1 $0x1  }
0x15: {  	[smem:$0x3FB2] =	sst s0;
	s0 =	simm.s32 @!p2 $0x0  }
0x16: {  	s3 =	sld [smem:$0x3FDB];
	s0 =	simm.s32 @p2 $0x1  }
0x17: {  	s4 =	simm.s32 $0x1BF5;
	[smem:$0x3FB4] =	sst s0  }
0x18: {  	s0 =	sld [smem:$0x3F97];
	_ =	swait.ge [sflag:s4], $0x0  }
0x19: {  	s7 =	sld [smem:$0x3F98]  }
0x1a: {  	s8 =	sadd.s32 $0xFFFFE003, lr  }
0x1b: {  	s9 =	sadd.s32 $0xFFFFFEF7, lr;
	s5 =	simm.s32 $0xFFFFFFFF;
	p2 =	slt.u32 s8, $0xFFFFF086  }
0x1c: {  	p1 =	slt.u32 s9, $0xF7A;
	s5 =	simm.s32 @!p2 $0x0  }
0x1d: {  	s5 =	simm.s32 @p1 $0x1;
	p0 =	seq.s32 s7, s2  }
0x1e: {  	s7 =	smul.u32 @!p0 $0xF7A, s2;
	p2 =	seq.s32 @!p0 s5, $0x0  }
0x1f: {  	s9 =	smul.u32 $0xF7A, s1;
	s8 =	simm.s32 @!p0 $0x1BF5;
	p2 =	por !p2, p0  }
0x20: {  	[sflag:s8] =	ssyncset.s32 @!p0 $0xFFFFF086;
	s6 =	sadd.s32 @!p0 s3, s7;
	s7 =	simm.s32 @!p0 $0x108  }
0x21: {  	s3 =	sadd.s32 s3, s9;
	s6 =	sadd.s32 @!p0 $0x88, s6;
	s7 =	simm.s32 @p2 $0x1082  }
0x22: {  	[simem:s7], [sflag:s8] =	dma.local @!p0 [hbm:s6], $0xF7A  }
0x23: {  	s9 =	sor.u32 $0xD0000000, s2;
	s6 =	simm.s32 $0x108;
	_ =	swait.ge @!p0 [sflag:s8], $0x0  }
0x24: {  	s3 =	sadd.s32 $0x88, s3;
	s6 =	simm.s32 @!p1 $0x1082;
	[sflag:s4] =	ssyncset.s32 $0xFFFFF086  }
0x25: {  	[simem:s6], [sflag:s4] =	dma.local [hbm:s3], $0xF7A  }
0x26: {  	[smem:$0x3F98] =	sst s1;
	(tag) =	ssettag s2;
	_ =	strace s9  }
0x27: {  	s1 =	sld [smem:$0x3FA8]  }
0x28: {  	s2 =	sld [smem:$0x3FA9]  }
0x29: {  	s4 =	sld [smem:$0x3FAB]  }
0x2a: {  	p0 =	seq.s32 s5, $0x0;
	s5 =	sld [smem:$0x3FAC]  }
0x2b: {  	s6 =	sld [smem:$0x3FAD]  }
0x2c: {  	s7 =	sld [smem:$0x3FAE]  }
0x2d: {  	s3 =	simm.s32 $0x108;
	s8 =	sld [smem:$0x3FAF]  }
0x2e: {  	s3 =	simm.s32 @!p0 $0x1082;
	s9 =	sld [smem:$0x3FB0]  }
0x2f: {  	lr =	sadd.s32 s0, s3;
	s0 =	sld [smem:$0x3FA7]  }
0x30: {  	s3 =	sld [smem:$0x3FAA]  }
0x31: {  	[smem:$0x3FB3] =	sst s10  }
0x32: {  	s10 =	sld [smem:$0x3FB1];
	_ =	sdelay $0x3  }
0x33: {  	p0 =	seq.s32 s10, $0x1;
	s10 =	sld [smem:$0x3FB3];
	_ =	sdelay $0x3  }
0x34: {  	[smem:$0x3FB3] =	sst s10  }
0x35: {  	s10 =	sld [smem:$0x3FB2];
	_ =	sdelay $0x3  }
0x36: {  	p1 =	seq.s32 s10, $0x1;
	s10 =	sld [smem:$0x3FB3];
	_ =	sdelay $0x3  }
0x37: {  	[smem:$0x3FB3] =	sst s10  }
0x38: {  	s10 =	sld [smem:$0x3FB4]  }
0x39: {  	_ = 	snop;
	(pc) =	sbr.ind lr, $3  }
0x3a: {  	_ = 	snop  }
0x3b: {  	_ = 	snop  }
0x3c: {  	p2 =	seq.s32 s10, $0x1;
	s10 =	sld [smem:$0x3FB3]  }
0x3d: {  	_ =	shalt  }
0x3e: {  	_ =	shalt  }
0x3f: {  	_ =	shalt  }
0x40: {  	_ =	shalt  }
0x41: {  	_ =	shalt  }
0x42: {  	_ =	shalt  }
0x43: {  	_ =	shalt  }
0x44: {  	_ =	shalt  }
0x45: {  	_ =	shalt  }
0x46: {  	_ =	shalt  }
0x47: {  	_ =	shalt  }
0x48: {  	_ =	shalt  }
0x49: {  	_ =	shalt  }
0x4a: {  	_ =	shalt  }
0x4b: {  	_ =	shalt  }
0x4c: {  	_ =	shalt  }
0x4d: {  	_ =	shalt  }
0x4e: {  	_ =	shalt  }
0x4f: {  	_ =	shalt  }
0x50: {  	_ =	shalt  }
0x51: {  	_ =	shalt  }
0x52: {  	_ =	shalt  }
0x53: {  	_ =	shalt  }
0x54: {  	_ =	shalt  }
0x55: {  	_ =	shalt  }
0x56: {  	_ =	shalt  }
0x57: {  	_ =	shalt  }
0x58: {  	_ =	shalt  }
0x59: {  	_ =	shalt  }
0x5a: {  	_ =	shalt  }
0x5b: {  	_ =	shalt  }
0x5c: {  	_ =	shalt  }
0x5d: {  	_ =	shalt  }
0x5e: {  	_ =	shalt  }
0x5f: {  	_ =	shalt  }
0x60: {  	_ =	shalt  }
0x61: {  	_ =	shalt  }
0x62: {  	_ =	shalt  }
0x63: {  	_ =	shalt  }
0x64: {  	_ =	shalt  }
0x65: {  	_ =	shalt  }
0x66: {  	_ =	shalt  }
0x67: {  	_ =	shalt  }
0x68: {  	_ =	shalt  }
0x69: {  	_ =	shalt  }
0x6a: {  	_ =	shalt  }
0x6b: {  	_ =	shalt  }
0x6c: {  	_ =	shalt  }
0x6d: {  	_ =	shalt  }
0x6e: {  	_ =	shalt  }
0x6f: {  	_ =	shalt  }
0x70: {  	_ =	shalt  }
0x71: {  	_ =	shalt  }
0x72: {  	_ =	shalt  }
0x73: {  	_ =	shalt  }
0x74: {  	_ =	shalt  }
0x75: {  	_ =	shalt  }
0x76: {  	_ =	shalt  }
0x77: {  	_ =	shalt  }
0x78: {  	_ =	shalt  }
0x79: {  	_ =	shalt  }
0x7a: {  	_ =	shalt  }
0x7b: {  	_ =	shalt  }
0x7c: {  	_ =	shalt  }
0x7d: {  	_ =	shalt  }
0x7e: {  	_ =	shalt  }
0x7f: {  	_ =	shalt  }
0x80: {  	_ =	shalt  }
0x81: {  	_ =	shalt  }
0x82: {  	_ =	shalt  }
0x83: {  	_ =	shalt  }
0x84: {  	_ =	shalt  }
0x85: {  	_ =	shalt  }
0x86: {  	_ =	shalt  }
0x87: {  	_ =	shalt  }
.Lfunc_end0:
.L_simem_size_0:
called_computation_lowered:
.L_overlay_start_0:
0x88: {  	s2 =	sld [smem:$0x3FD9]  }
0x89: {  	s3 =	sld [smem:$0x3FFE];
	_ =	sdelay $0x1  }
0x8a: {  	s1 =	srdreg.scid  }
0x8b: {  	s0 =	sand.u32 $0x1, s1  }
0x8c: {  	s17 =	sshll.u32 s0, $0xA;
	s2 =	sadd.s32 s3, s2  }
0x8d: {  	s2 =	sadd.s32 s2, s17  }
0x8e: {  	[smem:$0x3FBF] =	sst s2  }
0x8f: {  	_ = 	snop  }
0x90: {  	s2 =	sld [smem:$0x3FC9]  }
0x91: {  	s18 =	sld [smem:$0x3FD0];
	(tm) =	ssettm $0x1  }
0x92: {  	s4 =	sld [smem:$0x3FFB];
	_ =	sdelay $0x3  }
0x93: {  	_ =	strace s4  }
0x94: {  	s4 =	sld [smem:$0x3FFC];
	_ =	sdelay $0x3  }
0x95: {  	_ =	strace s4  }
0x96: {  	s4 =	sld [smem:$0x3FFD];
	_ =	sdelay $0x3  }
0x97: {  	_ =	strace s4  }
0x98: {  	_ =	strace $0x8FFFFFFF  }
0x99: {  	s19 =	sld [smem:$0x3FDB];
	_ =	sdelay $0x1  }
0x9a: {  	s5 =	simm.s32 $_scs_section_size  }
0x9b: {  	s6 =	simm.s32 $_size__tile_overlayer_lowered;
	s7 =	simm.s32 $_tile_overlayer_lowered  }
0x9c: {  	s22 =	simm.s32 $0x1BFF;
	s21 =	sshll.u32 s7, $0x1;
	s4 =	sadd.s32 s5, s19  }
0x9d: {  	s8 =	simm.s32 $0x0;
	s20 =	sshll.u32 s6, $0x1;
	s6 =	sadd.s32 s21, s4  }
0x9e: {  	[timem:s8], [sflag:s22] =	dma.local [hbm:s6], s20  }
0x9f: {  	_ =	swait.ge [sflag:s22], s20  }
0xa0: {  	s5 =	ssub.s32 $0x0, s20;
	[sflag:s22] =	ssyncset.done $0x0  }
0xa1: {  	[sflag:s22] =	ssyncadd.s32 s5;
	_ =	sdelay $0x1  }
0xa2: {  	s23 =	simm.s32 $0x1B8B  }
0xa3: {  	_ =	swait.ge [sflag:s23], $0x1  }
0xa4: {  	[sflag:s23] =	ssyncset.done $0x0  }
0xa5: {  	s25 =	simm.s32 $0x1B8E;
	s24 =	sld [smem:$0x3FFE];
	[sflag:s23] =	ssyncadd.s32 $0xFFFFFFFF  }
0xa6: {  	s26 =	simm.s32 $execute0_lowered;
	[smem:$0x3FD2] =	sst s25  }
0xa7: {  	s6 =	sshll.u32 s26, $0x1;
	_ =	strace $0x80000046;
	[dreg:$0x1] =	wrdreg $0xFFFFFFFF  }
0xa8: {  	s28 =	simm.s32 $_size_execute0_lowered;
	s4 =	sadd.s32 s4, s6;
	[dreg:$0x0] =	wrdreg $0x0  }
0xa9: {  	s6 =	sshll.u32 s28, $0x1;
	[dreg:$0x2] =	wrdreg s4  }
0xaa: {  	[dreg:$0x3] =	wrdreg s6  }
0xab: {  	[dreg:$0x4] =	wrdreg $0xC0  }
0xac: {  	_ =	task [dreg:s8], $0x5FFFF  }
0xad: {  	[dreg:$0x1] =	wrdreg $0xFFFFFFFF  }
0xae: {  	[dreg:$0x0] =	wrdreg $0x60  }
0xaf: {  	[dreg:$0x2] =	wrdreg s2  }
0xb0: {  	[dreg:$0x3] =	wrdreg s24  }
0xb1: {  	[dreg:$0x4] =	wrdreg s18  }
0xb2: {  	[dreg:$0x5] =	wrdreg $0x9  }
0xb3: {  	_ =	task.clear_ibuf [dreg:s8], $0x6FFFF;
	_ =	strace $0x90000046  }
0xb4: {  	s29 =	simm.s32 $0x9;
	_ =	strace $0x80000048  }
0xb5: {  	_ =	swait.ge [sflag:s29], $0x1  }
0xb6: {  	[sflag:s29] =	ssyncadd.s32 $0xFFFFFFFF  }
0xb7: {  	_ =	strace $0x90000048  }
0xb8: {  	_ =	sfence  }
0xb9: {  	s30 =	sld [smem:$0x0];
	_ =	sdelay $0x2  }
0xba: {  	s31 =	sshll.u32 s1, $0xD;
	s1 =	sshrl.u32 s1, $0x2  }
0xbb: {  	s3 =	sand.u32 $0x4000, s31;
	s1 =	sadd.s32 s1, s30  }
0xbc: {  	s0 =	sor.u32 s3, s0;
	s1 =	sshll.u32 s1, $0x11  }
0xbd: {  	s0 =	sor.u32 s1, s0  }
0xbe: {  	s0 =	sadd.s32 $0x8F2B, s0  }
0xbf: {  	[sflag:s0] =	ssyncadd.remote.s32 $0x1  }
0xc0: {  	_ =	sfence.sel $0xFFFF  }
0xc1: {  	[dreg:$0x0] =	wrdreg $0xFFFFFFFF;
	(pc) =	sbr.abs _section_cstart, $3  }
0xc2: {  	[dreg:$0x1] =	wrdreg $0xFFFFFFFF  }
0xc3: {  	_ =	task.clear_ibuf [dreg:s8], $0x2FFFF;
	_ =	strace $0x9FFFFFFF  }
0xc4: {  	(tm) =	ssettm $0x7FFFFFFF  }
0xc5: {  	_ =	shalt  }
tec
execute0_lowered:
.L_overlay_start_1:
0x0: {  	(tag) =	ssettag $0x1  }
0x1: {  	v0 =	vimm.s32 $0x2380  }
0x2: {  	vm14 =	vcmask $0x300;
	vm13 =	vcmask $0x704;
	v1 =	vimm.s32 $0x6380  }
0x3: {  	vm12 =	vcmask $0xB08;
	vm11 =	vcmask $0xF0C;
	vm10 =	vcmask $0x1310  }
0x4: {  	vm9 =	vcmask $0x1714;
	vm8 =	vcmask $0x1B18;
	vm7 =	vcmask $0x1F1C  }
0x5: {  	vm6 =	vcmask $0x2320;
	vm5 =	vcmask $0x2724;
	vm4 =	vcmask $0x2B28  }
0x6: {  	vm3 =	vcmask $0x2F2C;
	vm2 =	vcmask $0x3330;
	vm1 =	vcmask $0x3734  }
0x7: {  	vm0 =	vcmask $0x3B38;
	v2 =	vimm.s32 $0xA380;
	v3 =	vimm.s32 $0xE380  }
0x8: {  	v4 =	vimm.s32 $0xFFFF2380;
	v5 =	vimm.s32 $0x0;
	v0 =	vsel vm14, $0x0, v0  }
0x9: {  	v1 =	vsel vm14, $0x4000, v1;
	v2 =	vsel vm14, $0x8000, v2;
	v3 =	vsel vm14, $0xC000, v3  }
0xa: {  	v4 =	vsel vm14, $0xFFFF0000, v4;
	v0 =	vsel vm13, $0x80, v0;
	v1 =	vsel vm13, $0x4080, v1  }
0xb: {  	v2 =	vsel vm13, $0x8080, v2;
	v3 =	vsel vm13, $0xC080, v3;
	v4 =	vsel vm13, $0xFFFF0080, v4  }
0xc: {  	v0 =	vsel vm12, $0x100, v0;
	v1 =	vsel vm12, $0x4100, v1;
	v2 =	vsel vm12, $0x8100, v2  }
0xd: {  	v3 =	vsel vm12, $0xC100, v3;
	v4 =	vsel vm12, $0xFFFF0100, v4;
	v0 =	vsel vm11, $0x180, v0  }
0xe: {  	v1 =	vsel vm11, $0x4180, v1;
	v2 =	vsel vm11, $0x8180, v2;
	v3 =	vsel vm11, $0xC180, v3  }
0xf: {  	v4 =	vsel vm11, $0xFFFF0180, v4;
	v0 =	vsel vm10, $0x200, v0;
	v1 =	vsel vm10, $0x4200, v1  }
0x10: {  	v2 =	vsel vm10, $0x8200, v2;
	v3 =	vsel vm10, $0xC200, v3;
	v4 =	vsel vm10, $0xFFFF0200, v4  }
0x11: {  	v0 =	vsel vm9, $0x280, v0;
	v1 =	vsel vm9, $0x4280, v1;
	v2 =	vsel vm9, $0x8280, v2  }
0x12: {  	v3 =	vsel vm9, $0xC280, v3;
	v4 =	vsel vm9, $0xFFFF0280, v4;
	v0 =	vsel vm8, $0x300, v0  }
0x13: {  	v1 =	vsel vm8, $0x4300, v1;
	v2 =	vsel vm8, $0x8300, v2;
	v3 =	vsel vm8, $0xC300, v3  }
0x14: {  	s0 =	rddreg [dreg:$0x0];
	s1 =	srdreg.scid;
	v4 =	vsel vm8, $0xFFFF0300, v4;
	v0 =	vsel vm7, $0x380, v0;
	v1 =	vsel vm7, $0x4380, v1  }
0x15: {  	s3 =	rddreg [dreg:$0x1];
	s2 =	stileid.u32;
	v2 =	vsel vm7, $0x8380, v2;
	v3 =	vsel vm7, $0xC380, v3;
	v4 =	vsel vm7, $0xFFFF0380, v4  }
0x16: {  	s4 =	rddreg [dreg:$0x2];
	s14 =	simm.s32 $0x2;
	s15 =	simm.s32 $0x80;
	v0 =	vsel vm6, $0x2000, v0;
	v1 =	vsel vm6, $0x6000, v1;
	v2 =	vsel vm6, $0xA000, v2  }
0x17: {  	s16 =	simm.s32 $0x4080;
	s17 =	simm.s32 $0x8080;
	s1 =	sand.u32 $0x1, s1;
	v3 =	vsel vm6, $0xE000, v3;
	v4 =	vsel vm6, $0xFFFF2000, v4;
	v0 =	vsel vm5, $0x2080, v0  }
0x18: {  	s18 =	simm.s32 $0xC080;
	s5 =	sshll.u32 s2, $0x5;
	s6 =	sshll.u32 s1, $0x4;
	v1 =	vsel vm5, $0x6080, v1;
	v2 =	vsel vm5, $0xA080, v2;
	v3 =	vsel vm5, $0xE080, v3  }
0x19: {  	s19 =	simm.s32 $0x1;
	s2 =	simm.s32 $0x0;
	s5 =	sor.u32 s6, s5;
	v4 =	vsel vm5, $0xFFFF2080, v4;
	v0 =	vsel vm4, $0x2100, v0;
	v1 =	vsel vm4, $0x6100, v1  }
0x1a: {  	s20 =	simm.s32 $0x10080;
	[smem:$0x7FF] =	sst s2;
	s12 =	sshll.u32 s5, $0x7;
	v2 =	vsel vm4, $0xA100, v2;
	v3 =	vsel vm4, $0xE100, v3;
	v4 =	vsel vm4, $0xFFFF2100, v4  }
0x1b: {  	s1 =	ssub.s32 $0x2, s1;
	_ =	strace $0x80000047;
	s3 =	sadd.s32 s12, s3;
	v0 =	vsel vm3, $0x2180, v0;
	v1 =	vsel vm3, $0x6180, v1;
	v2 =	vsel vm3, $0xA180, v2  }
0x1c: {  	s21 =	simm.s32 $0x0;
	s31 =	sshrl.u32 s1, $0x1;
	s29 =	sadd.s32 $0x103800, s3;
	v3 =	vsel vm3, $0xE180, v3;
	v4 =	vsel vm3, $0xFFFF2180, v4;
	v0 =	vsel vm2, $0x2200, v0  }
0x1d: {  	s1 =	ssub.s32 s1, s31;
	s5 =	sshrl.u32 s5, $0x3;
	s30 =	sadd.s32 $0x183800, s3;
	v1 =	vsel vm2, $0x6200, v1;
	v2 =	vsel vm2, $0xA200, v2;
	v3 =	vsel vm2, $0xE200, v3  }
0x1e: {  	s12 =	sadd.s32 s4, s12;
	s13 =	smax.u32 s1, $0x1;
	s7 =	sadd.s32 $0x203800, s3;
	v4 =	vsel vm2, $0xFFFF2200, v4;
	v0 =	vsel vm1, $0x2280, v0;
	v1 =	vsel vm1, $0x6280, v1  }
0x1f: {  	s6 =	sadd.s32 $0x283800, s3;
	s8 =	sadd.s32 $0x3800, s3;
	[dreg:$0x4] =	wrdreg s29;
	v2 =	vsel vm1, $0xA280, v2;
	v3 =	vsel vm1, $0xE280, v3;
	v6 =	vsel vm1, $0xFFFF2280, v4  }
0x20: {  	s9 =	sadd.s32 $0x303800, s3;
	s10 =	sadd.s32 $0x83800, s3;
	[dreg:$0x5] =	wrdreg s30;
	v4 =	vimm.s32 $0x8;
	v0 =	vsel vm0, $0x2300, v0;
	v1 =	vsel vm0, $0x6300, v1  }
0x21: {  	s11 =	sadd.s32 $0x383800, s3;
	[dreg:$0x6] =	wrdreg s7;
	s7 =	sadd.s32 s0, s5;
	v2 =	vsel vm0, $0xA300, v2;
	v3 =	vsel vm0, $0xE300, v3;
	v6 =	vsel vm0, $0xFFFF2300, v6  }
.LBB2_1:
0x22: {  	[tilespmem:s2], [sflag:$0x2] =	stream.linear.gather [hbm4b:s7+s2], $0x10, $0x38;
	[tilespmem:$0x14080] =	vst v63  }
0x23: {  	_ =	swait.ge [sflag:s14], $0x10  }
0x24: {  	[sflag:s14] =	ssyncset.done $0x0  }
0x25: {  	[sflag:s14] =	ssyncadd.s32 $0xFFFFFFF0  }
0x26: {  	v7 =	vld [tilespmem:$0x0];
	[tilespmem:s15], [sflag:$0x1] =	stream.linear.gather [hbm4b:s8+s2], $0x4000, $0x38  }
0x27: {  	s26 =	simm.s32 $0x1;
	s22 =	simm.s32 $0x5  }
0x28: {  	[tilespmem:s16], [sflag:$0x1] =	stream.linear.gather [hbm4b:s10+s2], $0x4000, $0x38;
	[tilespmem:$0x14080] =	vst v63  }
0x29: {  	v16 =	vimm.f32 $-Inf;
	s25 =	simm.s32 $0x3;
	s24 =	simm.s32 $0x4;
	v9 =	vmov s26;
	v8 =	vmov s22;
	s0 =	rddreg [dreg:$0x4]  }
0x2a: {  	v10 =	vmov s25;
	v11 =	vmov s24;
	v12 =	vshll.u32 v8, $0x3;
	[tilespmem:s17], [sflag:$0x1] =	stream.linear.gather [hbm4b:s0+s2], $0x4000, $0x38;
	[tilespmem:$0x14080] =	vst v63  }
0x2b: {  	v13 =	vand.u32 $0x7C, v11;
	v8 =	vand.u32 $0x7D, v8;
	s31 =	rddreg [dreg:$0x5];
	v11 =	vshll.u32 v11, $0x3  }
0x2c: {  	v18 =	vshll.u32 v9, $0x3;
	v9 =	vand.u32 $0x79, v9;
	v12 =	vand.u32 $0x1C00, v12;
	[tilespmem:s18], [sflag:$0x1] =	stream.linear.gather [hbm4b:s31+s2], $0x4000, $0x38;
	[tilespmem:$0x14080] =	vst v63  }
0x2d: {  	s23 =	simm.s32 $0x6;
	v11 =	vand.u32 $0x1C00, v11;
	v18 =	vand.u32 $0x1C00, v18;
	v15 =	vor.u32 v8, v12;
	_ =	swait.ge [sflag:s19], $0x4000  }
0x2e: {  	s29 =	simm.s32 $0x2;
	v8 =	vmov s23;
	v13 =	vor.u32 v13, v11;
	v9 =	vor.u32 v9, v18;
	[sflag:s19] =	ssyncset.done $0x0  }
0x2f: {  	v11 =	vmov s29;
	v18 =	vmov s2;
	v26 =	vor.u32 v0, v15;
	[sflag:s19] =	ssyncadd.s32 $0xFFFFC000  }
0x30: {  	v12 =	vand.u32 $0x7E, v8;
	v14 =	vshll.u32 v8, $0x3;
	v8 =	vor.u32 v3, v15;
	_ =	swait.ge [sflag:s19], $0x4000  }
0x31: {  	v19 =	vor.u32 v0, v9;
	v20 =	vor.u32 v3, v9;
	v21 =	vshll.u32 v18, $0x3;
	[sflag:s19] =	ssyncset.done $0x0  }
0x32: {  	v22 =	vshll.u32 v11, $0x3;
	v18 =	vand.u32 $0x78, v18;
	v11 =	vand.u32 $0x7A, v11;
	[sflag:s19] =	ssyncadd.s32 $0xFFFFC000  }
0x33: {  	v24 =	vor.u32 v1, v9;
	v9 =	vor.u32 v2, v9;
	v21 =	vand.u32 $0x1C00, v21;
	_ =	swait.ge [sflag:s19], $0x4000  }
0x34: {  	v34 =	vor.u32 v0, v13;
	v22 =	vand.u32 $0x1C00, v22;
	v18 =	vor.u32 v18, v21;
	[sflag:s19] =	ssyncset.done $0x0  }
0x35: {  	v17 =	vand.u32 $0x1C00, v14;
	v21 =	vor.u32 v11, v22;
	v22 =	vor.u32 v2, v18;
	[sflag:s19] =	ssyncadd.s32 $0xFFFFC000  }
0x36: {  	v14 =	vand.u32 $0x7B, v10;
	v10 =	vshll.u32 v10, $0x3;
	v23 =	vor.u32 v3, v18;
	_ =	swait.ge [sflag:s19], $0x4000  }
0x37: {  	v35 =	vor.u32 v2, v13;
	v10 =	vand.u32 $0x1C00, v10;
	v28 =	vor.u32 v0, v18;
	[sflag:s19] =	ssyncset.done $0x0  }
0x38: {  	v17 =	vor.u32 v12, v17;
	v25 =	vor.u32 v0, v21;
	v27 =	vor.u32 v2, v21;
	[sflag:s19] =	ssyncadd.s32 $0xFFFFC000  }
0x39: {  	v14 =	vor.u32 v14, v10;
	v11 =	vor.u32 v1, v21;
	v30 =	vor.u32 v1, v18;
	v33 =	vld.idx.msk [tilespmem:v20+s15+$0x0], $0xffff  }
0x3a: {  	v37 =	vor.u32 v3, v21;
	v18 =	vor.u32 v2, v15;
	v29 =	vor.u32 v2, v14;
	v22 =	vld.idx.msk [tilespmem:v22+s15+$0x0], $0xffff  }
0x3b: {  	s28 =	simm.s32 $0x7;
	v10 =	vor.u32 v1, v14;
	v31 =	vor.u32 v3, v14;
	v32 =	vor.u32 v0, v14;
	v36 =	vld.idx.msk [tilespmem:v23+s15+$0x0], $0xffff  }
0x3c: {  	v14 =	vor.u32 v1, v13;
	v20 =	vor.u32 v3, v13;
	v28 =	vld.idx.msk [tilespmem:v28+s15+$0x0], $0xffff;
	v13 =	vmov s28  }
0x3d: {  	v12 =	vor.u32 v2, v17;
	v38 =	vld.idx.msk [tilespmem:v19+s15+$0x0], $0xffff;
	v23 =	vor.u32 v0, v17;
	v21 =	vshll.u32 v13, $0x3  }
0x3e: {  	v19 =	vor.u32 v3, v17;
	v39 =	vld.idx.msk [tilespmem:v30+s15+$0x0], $0xffff;
	v30 =	vand.u32 $0x7F, v13;
	v21 =	vand.u32 $0x1C00, v21  }
0x3f: {  	v40 =	vld.idx.msk [tilespmem:v9+s15+$0x0], $0xffff;
	v9 =	vor.u32 v1, v17;
	v13 =	vor.u32 v1, v15;
	v21 =	vor.u32 v30, v21  }
0x40: {  	v27 =	vld.idx.msk [tilespmem:v27+s15+$0x0], $0xffff;
	v17 =	vor.u32 v0, v21;
	v15 =	vor.u32 v3, v21;
	vm0 =	vgt.f32 v36, v16  }
0x41: {  	v58 =	vld.idx.msk [tilespmem:v25+s15+$0x0], $0xffff;
	vm1 =	vgt.f32 v28, v16;
	vm2 =	vgt.f32 v22, v16;
	v36 =	vsel vm0, v36, v16  }
0x42: {  	v30 =	vld.idx.msk [tilespmem:v37+s15+$0x0], $0xffff;
	v25 =	vsel vm1, v28, v16;
	v22 =	vsel vm2, v22, v16;
	v28 =	vsel vm2, s2, v5  }
0x43: {  	v41 =	vld.idx.msk [tilespmem:v29+s15+$0x0], $0xffff;
	vm2 =	vgt.f32 v39, v16;
	v29 =	vsel vm0, s2, v5;
	vm0 =	vgt.f32 v33, v36  }
0x44: {  	vm3 =	vgt.f32 v40, v22;
	v33 =	vsel vm0, v33, v36;
	v59 =	vsel vm0, s26, v29  }
0x45: {  	v60 =	vld.idx.msk [tilespmem:v32+s15+$0x0], $0xffff;
	v29 =	vsel vm1, s2, v5;
	vm0 =	vgt.f32 v38, v25;
	v22 =	vsel vm3, v40, v22  }
0x46: {  	v62 =	vld.idx.msk [tilespmem:v35+s15+$0x0], $0xffff;
	v63 =	vsel vm3, s26, v28;
	v28 =	vsel vm2, v39, v16;
	v61 =	vsel vm0, v38, v25  }
0x47: {  	vm1 =	vgt.f32 v27, v22;
	vm4 =	vgt.f32 v30, v33;
	v25 =	vld.idx.msk [tilespmem:v24+s15+$0x0], $0xffff;
	v24 =	vsel vm0, s26, v29  }
0x48: {  	v29 =	vsel vm2, s2, v5;
	vm3 =	vgt.f32 v58, v61;
	v22 =	vsel vm1, v27, v22  }
0x49: {  	v30 =	vsel vm4, v30, v33;
	v32 =	vsel vm4, s29, v59;
	vm0 =	vgt.f32 v41, v22  }
0x4a: {  	v33 =	vld.idx.msk [tilespmem:v34+s15+$0x0], $0xffff;
	v16 =	vsel vm3, s29, v24;
	v24 =	vsel vm1, s29, v63;
	v27 =	vsel vm3, v58, v61  }
0x4b: {  	v22 =	vsel vm0, v41, v22;
	vm1 =	vgt.f32 v60, v27;
	v24 =	vsel vm0, s25, v24  }
0x4c: {  	v31 =	vld.idx.msk [tilespmem:v31+s15+$0x0], $0xffff;
	v35 =	vsel vm1, v60, v27;
	v36 =	vsel vm1, s25, v16;
	vm1 =	vgt.f32 v62, v22  }
0x4d: {  	s30 =	simm.s32 $0x8;
	v34 =	vld.idx.msk [tilespmem:v26+s15+$0x0], $0xffff;
	vm0 =	vgt.f32 v25, v28;
	v22 =	vsel vm1, v62, v22;
	v24 =	vsel vm1, s24, v24  }
.LBB2_2:
0x4e: {  	s5 =	sadd.s32 $0x1, s30  }
0x4f: {  	s4 =	sadd.s32 $0x3, s30;
	s1 =	sadd.s32 $0x4, s30;
	vm1 =	vgt.f32 v33, v35;
	v26 =	vor.u32 v1, v21;
	v27 =	vor.u32 v2, v21;
	s31 =	smov.u32 s30  }
0x50: {  	p0 =	slt.u32 s30, $0x3E0;
	s30 =	sadd.s32 $0x8, s30;
	v37 =	vmov s5;
	v38 =	vmov s4;
	s0 =	sadd.s32 $0x5, s31;
	v36 =	vsel vm1, s24, v36;
	v39 =	vld.idx.msk [tilespmem:v23+s15+$0x0], $0xffff  }
0x51: {  	v16 =	vmov s1;
	v23 =	vsel vm1, v33, v35;
	v21 =	vmov s0  }
0x52: {  	v33 =	vand.u32 $0x7C, v16;
	v35 =	vshll.u32 v16, $0x3;
	v16 =	vshll.u32 v21, $0x3;
	v20 =	vld.idx.msk [tilespmem:v20+s15+$0x0], $0xffff  }
0x53: {  	v21 =	vand.u32 $0x7D, v21;
	vm1 =	vgt.f32 v31, v30;
	v16 =	vand.u32 $0x1C00, v16;
	v40 =	vld.idx.msk [tilespmem:v8+s15+$0x0], $0xffff  }
0x54: {  	s3 =	sadd.s32 $0x6, s31;
	v32 =	vsel vm1, s25, v32;
	vm2 =	vgt.f32 v34, v23;
	v21 =	vor.u32 v21, v16;
	v18 =	vld.idx.msk [tilespmem:v18+s15+$0x0], $0xffff  }
0x55: {  	v8 =	vmov s3;
	v34 =	vsel vm2, v34, v23;
	v16 =	vor.u32 v0, v21;
	v11 =	vld.idx.msk [tilespmem:v11+s15+$0x0], $0xffff  }
0x56: {  	v23 =	vand.u32 $0x7E, v8;
	v41 =	vshll.u32 v8, $0x3;
	vm3 =	vgt.f32 v39, v34;
	v42 =	vld.idx.msk [tilespmem:v19+s15+$0x0], $0xffff  }
0x57: {  	v30 =	vsel vm1, v31, v30;
	v8 =	vor.u32 v3, v21;
	v19 =	vand.u32 $0x1C00, v41;
	v10 =	vld.idx.msk [tilespmem:v10+s15+$0x0], $0xffff  }
0x58: {  	v31 =	vand.u32 $0x7B, v38;
	v36 =	vsel vm2, s22, v36;
	vm1 =	vgt.f32 v20, v30;
	v15 =	vld.idx.msk [tilespmem:v15+s15+$0x0], $0xffff  }
0x59: {  	v20 =	vsel vm1, v20, v30;
	v30 =	vsel vm1, s24, v32;
	v32 =	vsel vm3, s23, v36  }
0x5a: {  	v25 =	vsel vm0, v25, v28;
	v28 =	vsel vm0, s26, v29;
	s26 =	smov.u32 s5;
	vm0 =	vgt.f32 v40, v20;
	v17 =	vld.idx.msk [tilespmem:v17+s15+$0x0], $0xffff  }
0x5b: {  	v29 =	vsel vm3, v39, v34;
	vm1 =	vgt.f32 v11, v25;
	v20 =	vsel vm0, v40, v20;
	v14 =	vld.idx.msk [tilespmem:v14+s15+$0x0], $0xffff  }
0x5c: {  	v30 =	vsel vm0, s22, v30;
	v28 =	vsel vm1, s29, v28;
	vm0 =	vgt.f32 v42, v20  }
0x5d: {  	v11 =	vsel vm1, v11, v25;
	v20 =	vsel vm0, v42, v20;
	v25 =	vsel vm0, s23, v30  }
0x5e: {  	vm4 =	vgt.f32 v18, v22;
	vm3 =	vgt.f32 v10, v11;
	vm1 =	vgt.f32 v15, v20  }
0x5f: {  	v34 =	vand.u32 $0x1C00, v35;
	v30 =	vshll.u32 v38, $0x3;
	v10 =	vsel vm3, v10, v11  }
0x60: {  	v35 =	vshll.u32 v37, $0x3;
	v11 =	vand.u32 $0x79, v37;
	vm0 =	vgt.f32 v17, v29  }
0x61: {  	v35 =	vand.u32 $0x1C00, v35;
	v33 =	vor.u32 v33, v34;
	s29 =	sadd.s32 $0x2, s31;
	vm2 =	vgt.f32 v14, v10;
	v12 =	vld.idx.msk [tilespmem:v12+s15+$0x0], $0xffff  }
0x62: {  	v24 =	vsel vm4, s22, v24;
	v34 =	vor.u32 v11, v35;
	v11 =	vmov s29  }
0x63: {  	v18 =	vsel vm4, v18, v22;
	v35 =	vor.u32 v0, v34;
	v36 =	vor.u32 v3, v34;
	v13 =	vld.idx.msk [tilespmem:v13+s15+$0x0], $0xffff  }
0x64: {  	v22 =	vor.u32 v1, v34;
	v37 =	vshll.u32 v11, $0x3;
	v29 =	vsel vm0, v17, v29  }
0x65: {  	v11 =	vand.u32 $0x7A, v11;
	v17 =	vand.u32 $0x1C00, v37;
	v10 =	vsel vm2, v14, v10  }
0x66: {  	v28 =	vsel vm3, s25, v28;
	s25 =	smov.u32 s4;
	v14 =	vor.u32 v11, v17;
	v17 =	vand.u32 $0x1C00, v30  }
0x67: {  	v30 =	vor.u32 v0, v14;
	v37 =	vor.u32 v2, v14;
	vm3 =	vgt.f32 v12, v18  }
0x68: {  	v11 =	vor.u32 v1, v14;
	v17 =	vor.u32 v31, v17;
	v24 =	vsel vm3, s23, v24;
	v9 =	vld.idx.msk [tilespmem:v9+s15+$0x0], $0xffff  }
0x69: {  	v31 =	vmov s31;
	v38 =	vor.u32 v2, v17;
	vm4 =	vgt.f32 v13, v10  }
0x6a: {  	v39 =	vand.u32 $0x78, v31;
	v31 =	vshll.u32 v31, $0x3;
	v13 =	vsel vm4, v13, v10;
	v27 =	vld.idx.msk [tilespmem:v27+s15+$0x0], $0xffff  }
0x6b: {  	v28 =	vsel vm2, s24, v28;
	s24 =	smov.u32 s1;
	v31 =	vand.u32 $0x1C00, v31;
	v10 =	vor.u32 v1, v17;
	v26 =	vld.idx.msk [tilespmem:v26+s15+$0x0], $0xffff  }
0x6c: {  	v31 =	vor.u32 v39, v31;
	v39 =	vor.u32 v3, v17;
	v28 =	vsel vm4, s22, v28;
	s22 =	smov.u32 s0  }
0x6d: {  	v25 =	vsel vm1, s28, v25;
	v40 =	vor.u32 v1, v31;
	v41 =	vor.u32 v2, v31  }
0x6e: {  	v42 =	vor.u32 v0, v31;
	v31 =	vor.u32 v3, v31;
	vm2 =	vgt.f32 v9, v13  }
0x6f: {  	v44 =	vsel vm1, v15, v20;
	v43 =	vor.u32 v0, v17;
	v12 =	vsel vm3, v12, v18  }
0x70: {  	v9 =	vsel vm2, v9, v13;
	v13 =	vsel vm2, s23, v28;
	s23 =	smov.u32 s3;
	vm1 =	vgt.f32 v27, v12;
	v36 =	vld.idx.msk [tilespmem:v36+s15+$0x0], $0xffff  }
0x71: {  	v15 =	vor.u32 v2, v34;
	vm2 =	vgt.f32 v26, v9;
	v27 =	vsel vm1, v27, v12;
	v28 =	vld.idx.msk [tilespmem:v35+s15+$0x0], $0xffff  }
0x72: {  	v32 =	vsel vm0, s28, v32;
	v24 =	vsel vm1, s28, v24;
	v35 =	vsel vm2, s28, v13;
	v34 =	vld.idx.msk [tilespmem:v41+s15+$0x0], $0xffff  }
0x73: {  	v45 =	vor.u32 v2, v33;
	v26 =	vsel vm2, v26, v9;
	v41 =	vor.u32 v0, v33;
	v31 =	vld.idx.msk [tilespmem:v31+s15+$0x0], $0xffff  }
0x74: {  	v20 =	vor.u32 v3, v33;
	v17 =	vor.u32 v3, v14;
	v14 =	vor.u32 v1, v33;
	s28 =	sadd.s32 $0x7, s31;
	v42 =	vld.idx.msk [tilespmem:v42+s15+$0x0], $0xffff  }
0x75: {  	v18 =	vor.u32 v2, v21;
	v9 =	vor.u32 v23, v19;
	v13 =	vmov s28;
	v40 =	vld.idx.msk [tilespmem:v40+s15+$0x0], $0xffff  }
0x76: {  	v23 =	vor.u32 v0, v9;
	v19 =	vor.u32 v3, v9;
	v33 =	vld.idx.msk [tilespmem:v15+s15+$0x0], $0xffff;
	v15 =	vshll.u32 v13, $0x3  }
0x77: {  	v12 =	vor.u32 v2, v9;
	v46 =	vand.u32 $0x7F, v13;
	v37 =	vld.idx.msk [tilespmem:v37+s15+$0x0], $0xffff;
	v15 =	vand.u32 $0x1C00, v15  }
0x78: {  	v9 =	vor.u32 v1, v9;
	v13 =	vor.u32 v1, v21;
	v47 =	vld.idx.msk [tilespmem:v30+s15+$0x0], $0xffff;
	v21 =	vor.u32 v46, v15  }
0x79: {  	vm0 =	vgt.f32 v31, v44;
	v30 =	vld.idx.msk [tilespmem:v17+s15+$0x0], $0xffff;
	v17 =	vor.u32 v0, v21;
	v15 =	vor.u32 v3, v21  }
0x7a: {  	vm2 =	vgt.f32 v34, v27;
	vm1 =	vgt.f32 v42, v29;
	v31 =	vsel vm0, v31, v44  }
0x7b: {  	v27 =	vsel vm2, v34, v27;
	v24 =	vsel vm2, s31, v24;
	v29 =	vsel vm1, v42, v29;
	v34 =	vld.idx.msk [tilespmem:v38+s15+$0x0], $0xffff  }
0x7c: {  	v25 =	vsel vm0, s31, v25;
	vm2 =	vgt.f32 v40, v26;
	vm0 =	vgt.f32 v36, v31  }
0x7d: {  	vm3 =	vgt.f32 v33, v27;
	v31 =	vsel vm0, v36, v31;
	v36 =	vsel vm0, s26, v25  }
0x7e: {  	v32 =	vsel vm1, s31, v32;
	vm0 =	vgt.f32 v28, v29;
	v27 =	vsel vm3, v33, v27;
	v38 =	vld.idx.msk [tilespmem:v43+s15+$0x0], $0xffff  }
0x7f: {  	v42 =	vsel vm0, v28, v29;
	vm1 =	vgt.f32 v37, v27;
	vm4 =	vgt.f32 v30, v31;
	v43 =	vld.idx.msk [tilespmem:v45+s15+$0x0], $0xffff  }
0x80: {  	v25 =	vld.idx.msk [tilespmem:v22+s15+$0x0], $0xffff;
	v22 =	vsel vm3, s26, v24;
	vm3 =	vgt.f32 v47, v42;
	v24 =	vsel vm1, v37, v27  }
0x81: {  	v30 =	vsel vm4, v30, v31;
	v27 =	vsel vm0, s26, v32;
	vm0 =	vgt.f32 v34, v24;
	v33 =	vld.idx.msk [tilespmem:v41+s15+$0x0], $0xffff  }
.Ltmp0:
0x82: {  	v28 =	vsel vm2, v40, v26;
	v26 =	vsel vm3, s29, v27;
	v22 =	vsel vm1, s29, v22;
	(pc) =	sbr.rel @p0 .LBB2_2-.Ltmp0, $4  }
0x83: {  	v29 =	vsel vm2, s31, v35;
	v27 =	vsel vm3, v47, v42;
	v24 =	vsel vm0, v34, v24  }
0x84: {  	v32 =	vsel vm4, s29, v36;
	v34 =	vsel vm0, s25, v22;
	vm1 =	vgt.f32 v38, v27  }
0x85: {  	v35 =	vsel vm1, v38, v27;
	v36 =	vsel vm1, s25, v26;
	vm1 =	vgt.f32 v43, v24;
	v31 =	vld.idx.msk [tilespmem:v39+s15+$0x0], $0xffff  }
0x86: {  	vm0 =	vgt.f32 v25, v28;
	v22 =	vsel vm1, v43, v24;
	v24 =	vsel vm1, s24, v34;
	v34 =	vld.idx.msk [tilespmem:v16+s15+$0x0], $0xffff  }
0x87: {  	_ =	sdelay $0x3  }
0x88: {  	v16 =	vld.idx.msk [tilespmem:v20+s15+$0x0], $0xffff  }
0x89: {  	v11 =	vld.idx.msk [tilespmem:v11+s15+$0x0], $0xffff  }
0x8a: {  	v20 =	vld.idx.msk [tilespmem:v23+s15+$0x0], $0xffff;
	vm1 =	vgt.f32 v33, v35;
	v23 =	vor.u32 v1, v21;
	v21 =	vor.u32 v2, v21  }
0x8b: {  	v25 =	vsel vm0, v25, v28;
	v28 =	vsel vm0, s26, v29;
	v26 =	vsel vm1, v33, v35  }
0x8c: {  	v8 =	vld.idx.msk [tilespmem:v8+s15+$0x0], $0xffff;
	v27 =	vsel vm1, s24, v36;
	vm2 =	vgt.f32 v31, v30;
	vm1 =	vgt.f32 v34, v26  }
0x8d: {  	v30 =	vsel vm2, v31, v30;
	v31 =	vsel vm2, s25, v32;
	v26 =	vsel vm1, v34, v26  }
0x8e: {  	v10 =	vld.idx.msk [tilespmem:v10+s15+$0x0], $0xffff;
	s31 =	simm.s32 $0x2;
	vm2 =	vgt.f32 v16, v30;
	v27 =	vsel vm1, s22, v27;
	vm1 =	vgt.f32 v11, v25  }
0x8f: {  	v19 =	vld.idx.msk [tilespmem:v19+s15+$0x0], $0xffff;
	v34 =	vmov s31;
	vm3 =	vgt.f32 v20, v26;
	v16 =	vsel vm2, v16, v30  }
0x90: {  	v30 =	vsel vm2, s24, v31;
	v11 =	vsel vm1, v11, v25;
	v25 =	vshll.u32 v7, $0x3  }
0x91: {  	v14 =	vld.idx.msk [tilespmem:v14+s15+$0x0], $0xffff;
	v35 =	vshll.u32 v34, $0x3;
	v27 =	vsel vm3, s23, v27;
	vm0 =	vgt.f32 v8, v16  }
0x92: {  	v18 =	vld.idx.msk [tilespmem:v18+s15+$0x0], $0xffff;
	v25 =	vand.u32 $0xFFFFFC00, v25;
	v8 =	vsel vm0, v8, v16;
	v16 =	vsel vm3, v20, v26  }
0x93: {  	s30 =	simm.s32 $0x3;
	v20 =	vsel vm1, s29, v28;
	v26 =	vsel vm0, s22, v30;
	vm0 =	vgt.f32 v10, v11  }
0x94: {  	v13 =	vld.idx.msk [tilespmem:v13+s15+$0x0], $0xffff;
	v28 =	vand.u32 $0x7F, v7;
	v30 =	vmov s30;
	vm1 =	vgt.f32 v19, v8  }
0x95: {  	s29 =	simm.s32 $0x4;
	v10 =	vsel vm0, v10, v11;
	v25 =	vor.u32 v28, v25;
	v20 =	vsel vm0, s25, v20  }
0x96: {  	v29 =	vld.idx.msk [tilespmem:v9+s15+$0x0], $0xffff;
	v28 =	vmov s29;
	v8 =	vsel vm1, v19, v8;
	vm2 =	vgt.f32 v14, v10  }
0x97: {  	s26 =	simm.s32 $0x6;
	v19 =	vld.idx.msk [tilespmem:v12+s15+$0x0], $0xffff;
	v11 =	vadd.s32 v0, v25;
	v26 =	vsel vm1, s23, v26;
	vm1 =	vgt.f32 v18, v22  }
0x98: {  	v12 =	vld.idx.msk [tilespmem:v23+s15+$0x0], $0xffff;
	v9 =	vadd.s32 v1, v25;
	v23 =	vmov s26;
	v10 =	vsel vm2, v14, v10  }
0x99: {  	v14 =	vld.idx.msk [tilespmem:v17+s15+$0x0], $0xffff;
	v17 =	vsel vm1, s22, v24;
	v18 =	vsel vm1, v18, v22;
	vm3 =	vgt.f32 v13, v10  }
0x9a: {  	v20 =	vsel vm2, s24, v20;
	v24 =	vshll.u32 v23, $0x3;
	v13 =	vsel vm3, v13, v10  }
0x9b: {  	v21 =	vld.idx.msk [tilespmem:v21+s15+$0x0], $0xffff;
	v23 =	vand.u32 $0x7E, v23;
	v10 =	vadd.s32 v2, v25;
	vm0 =	vgt.f32 v29, v13  }
0x9c: {  	v20 =	vsel vm3, s22, v20;
	vm1 =	vgt.f32 v19, v18;
	v13 =	vsel vm0, v29, v13;
	v22 =	vld.idx.msk [tilespmem:v11+s15+$0x0], $0xffff  }
0x9d: {  	v15 =	vld.idx.msk [tilespmem:v15+s15+$0x0], $0xffff;
	v20 =	vsel vm0, s23, v20;
	vm0 =	vgt.f32 v12, v13;
	v12 =	vadd.s32 v3, v25  }
0x9e: {  	vm2 =	vgt.f32 v14, v16;
	v13 =	vsel vm1, s23, v17;
	v16 =	vld.idx.msk [tilespmem:v9+s15+$0x0], $0xffff;
	v14 =	vsel vm0, s28, v20  }
0x9f: {  	v17 =	vsel vm1, v19, v18;
	v18 =	vsel vm2, s28, v27;
	vm0 =	veq.s32 v14, v7  }
0xa0: {  	vm1 =	vgt.f32 v21, v17;
	vm2 =	veq.s32 v18, v7;
	v17 =	vld.idx.msk [tilespmem:v10+s15+$0x0], $0xffff;
	v14 =	vsel vm0, $0x1, v4  }
0xa1: {  	v13 =	vsel vm1, s28, v13;
	vm0 =	vgt.f32 v22, $-Inf;
	v14 =	vsel vm2, $0x0, v14  }
0xa2: {  	v18 =	vnsel vm0, $0xFF800000, v22;
	vm0 =	veq.s32 v13, v7;
	vm1 =	veq.s32 v14, $0x8;
	v13 =	vld.idx.msk [tilespmem:v12+s15+$0x0], $0xffff  }
0xa3: {  	vm2 =	vgt.f32 v15, v8;
	vm3 =	vgt.f32 v16, v18;
	vm0 =	vmand vm0, vm1  }
0xa4: {  	v8 =	vsel vm2, s28, v26;
	v15 =	vsel vm3, v16, v18;
	v14 =	vsel vm0, $0x2, v14  }
0xa5: {  	vm1 =	veq.s32 v8, v7;
	vm0 =	vgt.f32 v17, v15;
	vm2 =	veq.s32 v14, $0x8  }
0xa6: {  	v8 =	vsel vm3, $0x1, v5;
	v15 =	vsel vm0, v17, v15;
	vm1 =	vmand vm1, vm2  }
0xa7: {  	v8 =	vsel vm0, $0x2, v8;
	v16 =	vsel vm1, $0x3, v14;
	vm0 =	vgt.f32 v13, v15  }
0xa8: {  	v24 =	vand.u32 $0x1C00, v24;
	v14 =	vsel vm0, $0x3, v8;
	vm1 =	vlt.u32 v16, $0x8  }
0xa9: {  	s0 =	simm.s32 $0x0;
	v29 =	vshll.u32 v28, $0x3;
	v28 =	vand.u32 $0x7C, v28;
	v8 =	vsel vm1, v16, v14  }
0xaa: {  	v29 =	vand.u32 $0x1C00, v29;
	v18 =	vmov s0;
	v17 =	vshll.u32 v8, $0xE  }
0xab: {  	s28 =	simm.s32 $0x5;
	v20 =	vand.u32 $0x78, v18;
	v18 =	vshll.u32 v18, $0x3;
	v17 =	vor.u32 v0, v17  }
0xac: {  	v25 =	vmov s28;
	v18 =	vand.u32 $0x1C00, v18;
	v19 =	vor.u32 v17, v20  }
0xad: {  	s25 =	simm.s32 $0x7;
	v26 =	vor.u32 v17, v23;
	v62 =	vor.u32 v17, v28;
	v19 =	vor.u32 v18, v19  }
0xae: {  	v18 =	vor.u32 v20, v18;
	v20 =	vmov s25;
	v31 =	vor.u32 v24, v26  }
0xaf: {  	v26 =	vand.u32 $0x7B, v30;
	v22 =	vand.u32 $0x7F, v20;
	v20 =	vshll.u32 v20, $0x3  }
0xb0: {  	v30 =	vshll.u32 v30, $0x3;
	v20 =	vand.u32 $0x1C00, v20;
	v21 =	vor.u32 v17, v22  }
0xb1: {  	v33 =	vor.u32 v29, v62;
	v30 =	vand.u32 $0x1C00, v30;
	v21 =	vor.u32 v20, v21  }
0xb2: {  	v20 =	vor.u32 v22, v20;
	v22 =	vand.u32 $0x7D, v25;
	v25 =	vshll.u32 v25, $0x3  }
0xb3: {  	v63 =	vor.u32 v17, v26;
	v25 =	vand.u32 $0x1C00, v25;
	v27 =	vor.u32 v17, v22  }
0xb4: {  	s1 =	simm.s32 $0x1;
	s0 =	simm.s32 $0x8;
	v18 =	vor.u32 v0, v18;
	v32 =	vor.u32 v30, v63;
	v27 =	vor.u32 v25, v27  }
.LBB2_4:
0xb5: {  	p0 =	slt.u32 s0, $0x3E0;
	v36 =	vmov s1;
	v34 =	vand.u32 $0x7A, v34;
	v35 =	vand.u32 $0x1C00, v35  }
0xb6: {  	v19 =	vld.idx.msk [tilespmem:v19+s15+$0x0], $0xffff;
	v37 =	vand.u32 $0x79, v36;
	v36 =	vshll.u32 v36, $0x3;
	v38 =	vor.u32 v17, v34  }
0xb7: {  	v36 =	vand.u32 $0x1C00, v36;
	v39 =	vor.u32 v17, v37;
	v38 =	vor.u32 v35, v38;
	v21 =	vld.idx.msk [tilespmem:v21+s15+$0x0], $0xffff  }
0xb8: {  	v23 =	vor.u32 v23, v24;
	v20 =	vor.u32 v0, v20;
	v39 =	vor.u32 v36, v39;
	v31 =	vld.idx.msk [tilespmem:v31+s15+$0x0], $0xffff  }
0xb9: {  	v24 =	vmov s0;
	v22 =	vor.u32 v22, v25;
	v23 =	vor.u32 v0, v23;
	v27 =	vld.idx.msk [tilespmem:v27+s15+$0x0], $0xffff  }
0xba: {  	v28 =	vor.u32 v28, v29;
	v25 =	vand.u32 $0x78, v24;
	v22 =	vor.u32 v0, v22;
	v33 =	vld.idx.msk [tilespmem:v33+s15+$0x0], $0xffff  }
0xbb: {  	v26 =	vor.u32 v26, v30;
	v24 =	vshll.u32 v24, $0x3;
	v28 =	vor.u32 v0, v28;
	v29 =	vld.idx.msk [tilespmem:v32+s15+$0x0], $0xffff  }
0xbc: {  	v26 =	vor.u32 v0, v26;
	[tilespmem:v18+s20+$0x0] =	vst.idx.msk $0xffff, v19;
	v30 =	vld.idx.msk [tilespmem:v38+s15+$0x0], $0xffff;
	v18 =	vor.u32 v34, v35  }
0xbd: {  	v19 =	vor.u32 v37, v36;
	v32 =	vld.idx.msk [tilespmem:v39+s15+$0x0], $0xffff;
	v34 =	vor.u32 v0, v18;
	[tilespmem:v20+s20+$0x0] =	vst.idx.msk $0xffff, v21  }
0xbe: {  	s1 =	sadd.s32 $0x7, s0;
	v18 =	vand.u32 $0x1C00, v24;
	v20 =	vor.u32 v17, v25;
	v35 =	vor.u32 v0, v19;
	[tilespmem:v23+s20+$0x0] =	vst.idx.msk $0xffff, v31  }
0xbf: {  	v19 =	vor.u32 v18, v20;
	v18 =	vor.u32 v25, v18;
	v20 =	vmov s1;
	[tilespmem:v22+s20+$0x0] =	vst.idx.msk $0xffff, v27  }
0xc0: {  	s1 =	sadd.s32 $0x6, s0;
	v18 =	vor.u32 v0, v18;
	v22 =	vand.u32 $0x7F, v20;
	v20 =	vshll.u32 v20, $0x3;
	[tilespmem:v28+s20+$0x0] =	vst.idx.msk $0xffff, v33  }
0xc1: {  	v23 =	vmov s1;
	v20 =	vand.u32 $0x1C00, v20;
	v21 =	vor.u32 v17, v22;
	[tilespmem:v26+s20+$0x0] =	vst.idx.msk $0xffff, v29  }
0xc2: {  	s1 =	sadd.s32 $0x5, s0;
	v24 =	vshll.u32 v23, $0x3;
	v21 =	vor.u32 v20, v21;
	v20 =	vor.u32 v22, v20;
	[tilespmem:v34+s20+$0x0] =	vst.idx.msk $0xffff, v30  }
0xc3: {  	v25 =	vmov s1;
	v23 =	vand.u32 $0x7E, v23;
	v24 =	vand.u32 $0x1C00, v24;
	[tilespmem:v35+s20+$0x0] =	vst.idx.msk $0xffff, v32  }
0xc4: {  	s1 =	sadd.s32 $0x4, s0;
	v22 =	vand.u32 $0x7D, v25;
	v25 =	vshll.u32 v25, $0x3;
	v26 =	vor.u32 v17, v23  }
0xc5: {  	v28 =	vmov s1;
	v25 =	vand.u32 $0x1C00, v25;
	v27 =	vor.u32 v17, v22  }
.Ltmp1:
0xc6: {  	s1 =	sadd.s32 $0x3, s0;
	v29 =	vshll.u32 v28, $0x3;
	v31 =	vor.u32 v24, v26;
	v27 =	vor.u32 v25, v27;
	(pc) =	sbr.rel @p0 .LBB2_4-.Ltmp1, $4  }
0xc7: {  	v30 =	vmov s1;
	v28 =	vand.u32 $0x7C, v28;
	v29 =	vand.u32 $0x1C00, v29  }
0xc8: {  	s1 =	sadd.s32 $0x2, s0;
	v26 =	vand.u32 $0x7B, v30;
	v30 =	vshll.u32 v30, $0x3;
	v33 =	vor.u32 v17, v28  }
0xc9: {  	v34 =	vmov s1;
	v30 =	vand.u32 $0x1C00, v30;
	v32 =	vor.u32 v17, v26  }
0xca: {  	s1 =	sadd.s32 $0x1, s0;
	s0 =	sadd.s32 $0x8, s0;
	v35 =	vshll.u32 v34, $0x3;
	v33 =	vor.u32 v29, v33;
	v32 =	vor.u32 v30, v32  }
0xcb: {  	_ =	sdelay $0x1  }
0xcc: {  	v36 =	vmov s1;
	v34 =	vand.u32 $0x7A, v34  }
0xcd: {  	v35 =	vand.u32 $0x1C00, v35;
	v23 =	vor.u32 v23, v24;
	v20 =	vor.u32 v0, v20  }
0xce: {  	v19 =	vld.idx.msk [tilespmem:v19+s15+$0x0], $0xffff;
	v37 =	vand.u32 $0x79, v36;
	v36 =	vshll.u32 v36, $0x3;
	v38 =	vor.u32 v17, v34  }
0xcf: {  	v21 =	vld.idx.msk [tilespmem:v21+s15+$0x0], $0xffff;
	v36 =	vand.u32 $0x1C00, v36;
	v17 =	vor.u32 v17, v37;
	v38 =	vor.u32 v35, v38  }
0xd0: {  	v24 =	vld.idx.msk [tilespmem:v31+s15+$0x0], $0xffff;
	v22 =	vor.u32 v22, v25;
	v23 =	vor.u32 v0, v23;
	v17 =	vor.u32 v36, v17  }
0xd1: {  	v25 =	vld.idx.msk [tilespmem:v27+s15+$0x0], $0xffff;
	v27 =	vor.u32 v28, v29;
	v22 =	vor.u32 v0, v22  }
0xd2: {  	v28 =	vld.idx.msk [tilespmem:v33+s15+$0x0], $0xffff;
	v26 =	vor.u32 v26, v30;
	v27 =	vor.u32 v0, v27  }
0xd3: {  	v29 =	vld.idx.msk [tilespmem:v32+s15+$0x0], $0xffff;
	[tilespmem:v18+s20+$0x0] =	vst.idx.msk $0xffff, v19;
	v18 =	vor.u32 v34, v35;
	v19 =	vor.u32 v0, v26  }
0xd4: {  	v30 =	vor.u32 v37, v36;
	[tilespmem:v20+s20+$0x0] =	vst.idx.msk $0xffff, v21;
	v18 =	vor.u32 v0, v18;
	v26 =	vld.idx.msk [tilespmem:v38+s15+$0x0], $0xffff  }
0xd5: {  	v20 =	vor.u32 v0, v30;
	[tilespmem:v23+s20+$0x0] =	vst.idx.msk $0xffff, v24;
	v17 =	vld.idx.msk [tilespmem:v17+s15+$0x0], $0xffff  }
0xd6: {  	[tilespmem:v22+s20+$0x0] =	vst.idx.msk $0xffff, v25  }
0xd7: {  	[tilespmem:v27+s20+$0x0] =	vst.idx.msk $0xffff, v28  }
0xd8: {  	[tilespmem:v19+s20+$0x0] =	vst.idx.msk $0xffff, v29  }
0xd9: {  	[tilespmem:v18+s20+$0x0] =	vst.idx.msk $0xffff, v26  }
0xda: {  	[tilespmem:v20+s20+$0x0] =	vst.idx.msk $0xffff, v17  }
0xdb: {  	s31 =	simm.s32 $0x0;
	s0 =	rddreg [dreg:$0x6]  }
0xdc: {  	[tilespmem:s15], [sflag:$0x1] =	stream.linear.gather [hbm4b:s0+s31], $0x4000, $0x38;
	[tilespmem:$0x14080] =	vst v63  }
0xdd: {  	s26 =	simm.s32 $0x1;
	s25 =	simm.s32 $0x3  }
0xde: {  	v31 =	vimm.f32 $-Inf;
	[tilespmem:s16], [sflag:$0x1] =	stream.linear.gather [hbm4b:s6+s31], $0x4000, $0x38;
	[tilespmem:$0x14080] =	vst v63  }
0xdf: {  	s22 =	simm.s32 $0x5;
	s24 =	simm.s32 $0x4;
	v24 =	vimm.s32 $0x0;
	v19 =	vmov s25;
	v18 =	vmov s26  }
0xe0: {  	v17 =	vmov s22;
	v20 =	vmov s24;
	v27 =	vshll.u32 v18, $0x3;
	[tilespmem:s17], [sflag:$0x1] =	stream.linear.gather [hbm4b:s9+s31], $0x4000, $0x38;
	[tilespmem:$0x14080] =	vst v63  }
0xe1: {  	v18 =	vand.u32 $0x79, v18;
	v21 =	vshll.u32 v17, $0x3;
	v22 =	vand.u32 $0x7C, v20  }
0xe2: {  	v17 =	vand.u32 $0x7D, v17;
	v20 =	vshll.u32 v20, $0x3;
	v27 =	vand.u32 $0x1C00, v27;
	[tilespmem:s18], [sflag:$0x1] =	stream.linear.gather [hbm4b:s11+s31], $0x4000, $0x38;
	[tilespmem:$0x14080] =	vst v63  }
0xe3: {  	s23 =	simm.s32 $0x6;
	v21 =	vand.u32 $0x1C00, v21;
	v20 =	vand.u32 $0x1C00, v20;
	v18 =	vor.u32 v18, v27;
	_ =	swait.ge [sflag:s19], $0x4000  }
0xe4: {  	s29 =	simm.s32 $0x2;
	v27 =	vmov s31;
	v25 =	vor.u32 v17, v21;
	v17 =	vmov s23;
	[sflag:s19] =	ssyncset.done $0x0  }
0xe5: {  	v22 =	vor.u32 v22, v20;
	v20 =	vmov s29;
	v28 =	vor.u32 v0, v18;
	[sflag:s19] =	ssyncadd.s32 $0xFFFFC000  }
0xe6: {  	v29 =	vor.u32 v3, v18;
	v30 =	vshll.u32 v27, $0x3;
	v27 =	vand.u32 $0x78, v27;
	_ =	swait.ge [sflag:s19], $0x4000  }
0xe7: {  	v33 =	vor.u32 v1, v18;
	v18 =	vor.u32 v2, v18;
	v35 =	vor.u32 v0, v25;
	[sflag:s19] =	ssyncset.done $0x0  }
0xe8: {  	v21 =	vand.u32 $0x7E, v17;
	v23 =	vshll.u32 v17, $0x3;
	v17 =	vor.u32 v3, v25;
	[sflag:s19] =	ssyncadd.s32 $0xFFFFC000  }
0xe9: {  	v56 =	vshll.u32 v20, $0x3;
	v30 =	vand.u32 $0x1C00, v30;
	v20 =	vand.u32 $0x7A, v20;
	_ =	swait.ge [sflag:s19], $0x4000  }
0xea: {  	v45 =	vor.u32 v0, v22;
	v46 =	vor.u32 v2, v22;
	v27 =	vor.u32 v27, v30;
	[sflag:s19] =	ssyncset.done $0x0  }
0xeb: {  	v26 =	vand.u32 $0x1C00, v23;
	v23 =	vand.u32 $0x7B, v19;
	v57 =	vor.u32 v2, v27;
	[sflag:s19] =	ssyncadd.s32 $0xFFFFC000  }
0xec: {  	v19 =	vshll.u32 v19, $0x3;
	v32 =	vand.u32 $0x1C00, v56;
	v59 =	vor.u32 v3, v27;
	_ =	swait.ge [sflag:s19], $0x4000  }
0xed: {  	v30 =	vor.u32 v20, v32;
	v19 =	vand.u32 $0x1C00, v19;
	v61 =	vor.u32 v0, v27;
	[sflag:s19] =	ssyncset.done $0x0  }
0xee: {  	v41 =	vor.u32 v1, v27;
	v27 =	vor.u32 v2, v25;
	v58 =	vor.u32 v0, v30;
	[sflag:s19] =	ssyncadd.s32 $0xFFFFC000  }
0xef: {  	v60 =	vor.u32 v2, v30;
	v23 =	vor.u32 v23, v19;
	v19 =	vor.u32 v1, v30;
	v43 =	vld.idx.msk [tilespmem:v29+s15+$0x0], $0xffff  }
0xf0: {  	v47 =	vor.u32 v3, v30;
	v30 =	vor.u32 v21, v26;
	v39 =	vor.u32 v2, v23;
	v44 =	vld.idx.msk [tilespmem:v57+s15+$0x0], $0xffff  }
0xf1: {  	s28 =	simm.s32 $0x7;
	v20 =	vor.u32 v1, v23;
	v40 =	vor.u32 v3, v23;
	v42 =	vor.u32 v0, v23;
	v36 =	vld.idx.msk [tilespmem:v59+s15+$0x0], $0xffff  }
0xf2: {  	v23 =	vor.u32 v1, v22;
	v29 =	vor.u32 v3, v22;
	v38 =	vld.idx.msk [tilespmem:v61+s15+$0x0], $0xffff;
	v22 =	vmov s28  }
0xf3: {  	v32 =	vor.u32 v0, v30;
	v26 =	vor.u32 v3, v30;
	v48 =	vld.idx.msk [tilespmem:v28+s15+$0x0], $0xffff;
	v28 =	vshll.u32 v22, $0x3  }
0xf4: {  	v21 =	vor.u32 v2, v30;
	v41 =	vld.idx.msk [tilespmem:v41+s15+$0x0], $0xffff;
	v49 =	vand.u32 $0x7F, v22;
	v28 =	vand.u32 $0x1C00, v28  }
0xf5: {  	v50 =	vld.idx.msk [tilespmem:v18+s15+$0x0], $0xffff;
	v18 =	vor.u32 v1, v30;
	v22 =	vor.u32 v1, v25;
	v30 =	vor.u32 v49, v28  }
0xf6: {  	v37 =	vld.idx.msk [tilespmem:v60+s15+$0x0], $0xffff;
	v25 =	vor.u32 v0, v30;
	v28 =	vor.u32 v3, v30;
	vm1 =	vgt.f32 v36, v31  }
0xf7: {  	v47 =	vld.idx.msk [tilespmem:v47+s15+$0x0], $0xffff;
	vm2 =	vgt.f32 v38, v31;
	vm3 =	vgt.f32 v44, v31;
	v36 =	vsel vm1, v36, v31  }
0xf8: {  	v49 =	vld.idx.msk [tilespmem:v58+s15+$0x0], $0xffff;
	v62 =	vsel vm2, v38, v31;
	v63 =	vsel vm3, v44, v31;
	v54 =	vsel vm3, s31, v24  }
0xf9: {  	vm3 =	vgt.f32 v41, v31;
	v55 =	vsel vm1, s31, v24;
	vm1 =	vgt.f32 v43, v36  }
0xfa: {  	v57 =	vsel vm2, s31, v24;
	vm4 =	vgt.f32 v50, v63;
	v36 =	vsel vm1, v43, v36  }
0xfb: {  	v51 =	vld.idx.msk [tilespmem:v39+s15+$0x0], $0xffff;
	v56 =	vsel vm1, s26, v55;
	vm1 =	vgt.f32 v48, v62;
	v38 =	vsel vm4, v50, v63  }
0xfc: {  	v58 =	vld.idx.msk [tilespmem:v42+s15+$0x0], $0xffff;
	v44 =	vsel vm4, s26, v54;
	v59 =	vsel vm1, v48, v62;
	vm2 =	vgt.f32 v37, v38  }
0xfd: {  	v46 =	vld.idx.msk [tilespmem:v46+s15+$0x0], $0xffff;
	vm5 =	vgt.f32 v47, v36;
	v61 =	vsel vm1, s26, v57;
	vm15 =	vgt.f32 v49, v59  }
0xfe: {  	v34 =	vld.idx.msk [tilespmem:v33+s15+$0x0], $0xffff;
	v60 =	vsel vm2, v37, v38;
	v39 =	vsel vm5, v47, v36;
	v37 =	vsel vm3, v41, v31  }
0xff: {  	v62 =	vsel vm2, s29, v44;
	v38 =	vsel vm3, s31, v24;
	v41 =	vsel vm5, s29, v56  }
0x100: {  	v42 =	vld.idx.msk [tilespmem:v45+s15+$0x0], $0xffff;
	vm1 =	vgt.f32 v51, v60;
	v31 =	vsel vm15, s29, v61;
	v24 =	vsel vm15, v49, v59  }
0x101: {  	v63 =	vsel vm1, v51, v60;
	vm2 =	vgt.f32 v58, v24;
	v33 =	vsel vm1, s25, v62  }
0x102: {  	v40 =	vld.idx.msk [tilespmem:v40+s15+$0x0], $0xffff;
	v44 =	vsel vm2, v58, v24;
	v45 =	vsel vm2, s25, v31;
	vm2 =	vgt.f32 v46, v63  }
0x103: {  	s30 =	simm.s32 $0x8;
	v43 =	vld.idx.msk [tilespmem:v35+s15+$0x0], $0xffff;
	vm1 =	vgt.f32 v34, v37;
	v31 =	vsel vm2, v46, v63;
	v33 =	vsel vm2, s24, v33  }
.LBB2_6:
0x104: {  	s5 =	sadd.s32 $0x1, s30  }
0x105: {  	s4 =	sadd.s32 $0x3, s30;
	s1 =	sadd.s32 $0x4, s30;
	vm2 =	vgt.f32 v42, v44;
	v35 =	vor.u32 v1, v30;
	v36 =	vor.u32 v2, v30;
	s31 =	smov.u32 s30  }
0x106: {  	p0 =	slt.u32 s30, $0x3E0;
	s30 =	sadd.s32 $0x8, s30;
	v46 =	vmov s5;
	v47 =	vmov s4;
	s0 =	sadd.s32 $0x5, s31;
	v45 =	vsel vm2, s24, v45;
	v48 =	vld.idx.msk [tilespmem:v32+s15+$0x0], $0xffff  }
0x107: {  	v24 =	vmov s1;
	v32 =	vsel vm2, v42, v44;
	v30 =	vmov s0  }
0x108: {  	v42 =	vand.u32 $0x7C, v24;
	v44 =	vshll.u32 v24, $0x3;
	v24 =	vshll.u32 v30, $0x3;
	v29 =	vld.idx.msk [tilespmem:v29+s15+$0x0], $0xffff  }
0x109: {  	v30 =	vand.u32 $0x7D, v30;
	vm2 =	vgt.f32 v40, v39;
	v24 =	vand.u32 $0x1C00, v24;
	v49 =	vld.idx.msk [tilespmem:v17+s15+$0x0], $0xffff  }
0x10a: {  	s3 =	sadd.s32 $0x6, s31;
	v41 =	vsel vm2, s25, v41;
	vm3 =	vgt.f32 v43, v32;
	v30 =	vor.u32 v30, v24;
	v27 =	vld.idx.msk [tilespmem:v27+s15+$0x0], $0xffff  }
0x10b: {  	v17 =	vmov s3;
	v43 =	vsel vm3, v43, v32;
	v24 =	vor.u32 v0, v30;
	v19 =	vld.idx.msk [tilespmem:v19+s15+$0x0], $0xffff  }
0x10c: {  	v32 =	vand.u32 $0x7E, v17;
	v50 =	vshll.u32 v17, $0x3;
	vm4 =	vgt.f32 v48, v43;
	v51 =	vld.idx.msk [tilespmem:v26+s15+$0x0], $0xffff  }
0x10d: {  	v39 =	vsel vm2, v40, v39;
	v17 =	vor.u32 v3, v30;
	v26 =	vand.u32 $0x1C00, v50;
	v20 =	vld.idx.msk [tilespmem:v20+s15+$0x0], $0xffff  }
0x10e: {  	v40 =	vand.u32 $0x7B, v47;
	v45 =	vsel vm3, s22, v45;
	vm2 =	vgt.f32 v29, v39;
	v28 =	vld.idx.msk [tilespmem:v28+s15+$0x0], $0xffff  }
0x10f: {  	v29 =	vsel vm2, v29, v39;
	v39 =	vsel vm2, s24, v41;
	v41 =	vsel vm4, s23, v45  }
0x110: {  	v34 =	vsel vm1, v34, v37;
	v37 =	vsel vm1, s26, v38;
	s26 =	smov.u32 s5;
	vm1 =	vgt.f32 v49, v29;
	v25 =	vld.idx.msk [tilespmem:v25+s15+$0x0], $0xffff  }
0x111: {  	v38 =	vsel vm4, v48, v43;
	vm2 =	vgt.f32 v19, v34;
	v29 =	vsel vm1, v49, v29;
	v23 =	vld.idx.msk [tilespmem:v23+s15+$0x0], $0xffff  }
0x112: {  	v39 =	vsel vm1, s22, v39;
	v37 =	vsel vm2, s29, v37;
	vm1 =	vgt.f32 v51, v29  }
0x113: {  	v19 =	vsel vm2, v19, v34;
	v29 =	vsel vm1, v51, v29;
	v34 =	vsel vm1, s23, v39  }
0x114: {  	vm5 =	vgt.f32 v27, v31;
	vm4 =	vgt.f32 v20, v19;
	vm2 =	vgt.f32 v28, v29  }
0x115: {  	v43 =	vand.u32 $0x1C00, v44;
	v39 =	vshll.u32 v47, $0x3;
	v19 =	vsel vm4, v20, v19  }
0x116: {  	v44 =	vshll.u32 v46, $0x3;
	v20 =	vand.u32 $0x79, v46;
	vm1 =	vgt.f32 v25, v38  }
0x117: {  	v44 =	vand.u32 $0x1C00, v44;
	v42 =	vor.u32 v42, v43;
	s29 =	sadd.s32 $0x2, s31;
	vm3 =	vgt.f32 v23, v19;
	v21 =	vld.idx.msk [tilespmem:v21+s15+$0x0], $0xffff  }
0x118: {  	v33 =	vsel vm5, s22, v33;
	v43 =	vor.u32 v20, v44;
	v20 =	vmov s29  }
0x119: {  	v27 =	vsel vm5, v27, v31;
	v44 =	vor.u32 v0, v43;
	v45 =	vor.u32 v3, v43;
	v22 =	vld.idx.msk [tilespmem:v22+s15+$0x0], $0xffff  }
0x11a: {  	v31 =	vor.u32 v1, v43;
	v46 =	vshll.u32 v20, $0x3;
	v38 =	vsel vm1, v25, v38  }
0x11b: {  	v20 =	vand.u32 $0x7A, v20;
	v25 =	vand.u32 $0x1C00, v46;
	v23 =	vsel vm3, v23, v19  }
0x11c: {  	v37 =	vsel vm4, s25, v37;
	s25 =	smov.u32 s4;
	v25 =	vor.u32 v20, v25;
	v20 =	vand.u32 $0x1C00, v39  }
0x11d: {  	v39 =	vor.u32 v0, v25;
	v46 =	vor.u32 v2, v25;
	vm4 =	vgt.f32 v21, v27  }
0x11e: {  	v19 =	vor.u32 v1, v25;
	v40 =	vor.u32 v40, v20;
	v33 =	vsel vm4, s23, v33;
	v18 =	vld.idx.msk [tilespmem:v18+s15+$0x0], $0xffff  }
0x11f: {  	v20 =	vmov s31;
	v47 =	vor.u32 v2, v40;
	vm5 =	vgt.f32 v22, v23  }
0x120: {  	v48 =	vand.u32 $0x78, v20;
	v20 =	vshll.u32 v20, $0x3;
	v22 =	vsel vm5, v22, v23;
	v23 =	vld.idx.msk [tilespmem:v36+s15+$0x0], $0xffff  }
0x121: {  	v37 =	vsel vm3, s24, v37;
	s24 =	smov.u32 s1;
	v36 =	vand.u32 $0x1C00, v20;
	v20 =	vor.u32 v1, v40;
	v35 =	vld.idx.msk [tilespmem:v35+s15+$0x0], $0xffff  }
0x122: {  	v37 =	vsel vm5, s22, v37;
	s22 =	smov.u32 s0;
	v36 =	vor.u32 v48, v36;
	v48 =	vor.u32 v3, v40  }
0x123: {  	v34 =	vsel vm2, s28, v34;
	v49 =	vor.u32 v1, v36;
	v50 =	vor.u32 v2, v36  }
0x124: {  	v51 =	vor.u32 v0, v36;
	v36 =	vor.u32 v3, v36;
	vm3 =	vgt.f32 v18, v22  }
0x125: {  	v52 =	vsel vm2, v28, v29;
	v21 =	vsel vm4, v21, v27;
	v40 =	vor.u32 v0, v40  }
0x126: {  	v18 =	vsel vm3, v18, v22;
	v22 =	vsel vm3, s23, v37;
	s23 =	smov.u32 s3;
	vm2 =	vgt.f32 v23, v21;
	v45 =	vld.idx.msk [tilespmem:v45+s15+$0x0], $0xffff  }
0x127: {  	v28 =	vor.u32 v2, v43;
	vm3 =	vgt.f32 v35, v18;
	v43 =	vsel vm2, v23, v21;
	v37 =	vld.idx.msk [tilespmem:v44+s15+$0x0], $0xffff  }
0x128: {  	v41 =	vsel vm1, s28, v41;
	v33 =	vsel vm2, s28, v33;
	v44 =	vld.idx.msk [tilespmem:v50+s15+$0x0], $0xffff;
	v50 =	vsel vm3, s28, v22  }
0x129: {  	v53 =	vor.u32 v0, v42;
	v54 =	vor.u32 v2, v42;
	v35 =	vsel vm3, v35, v18;
	v36 =	vld.idx.msk [tilespmem:v36+s15+$0x0], $0xffff  }
0x12a: {  	v29 =	vor.u32 v3, v42;
	v25 =	vor.u32 v3, v25;
	v23 =	vor.u32 v1, v42;
	s28 =	sadd.s32 $0x7, s31;
	v51 =	vld.idx.msk [tilespmem:v51+s15+$0x0], $0xffff  }
0x12b: {  	v27 =	vor.u32 v2, v30;
	v18 =	vor.u32 v32, v26;
	v22 =	vmov s28;
	v49 =	vld.idx.msk [tilespmem:v49+s15+$0x0], $0xffff  }
0x12c: {  	v32 =	vor.u32 v0, v18;
	v26 =	vor.u32 v3, v18;
	v42 =	vld.idx.msk [tilespmem:v28+s15+$0x0], $0xffff;
	v28 =	vshll.u32 v22, $0x3  }
0x12d: {  	v21 =	vor.u32 v2, v18;
	v55 =	vand.u32 $0x7F, v22;
	v46 =	vld.idx.msk [tilespmem:v46+s15+$0x0], $0xffff;
	v28 =	vand.u32 $0x1C00, v28  }
0x12e: {  	v18 =	vor.u32 v1, v18;
	v22 =	vor.u32 v1, v30;
	v56 =	vld.idx.msk [tilespmem:v39+s15+$0x0], $0xffff;
	v30 =	vor.u32 v55, v28  }
0x12f: {  	vm1 =	vgt.f32 v36, v52;
	v39 =	vld.idx.msk [tilespmem:v25+s15+$0x0], $0xffff;
	v25 =	vor.u32 v0, v30;
	v28 =	vor.u32 v3, v30  }
0x130: {  	vm3 =	vgt.f32 v44, v43;
	vm2 =	vgt.f32 v51, v38;
	v36 =	vsel vm1, v36, v52  }
0x131: {  	v43 =	vsel vm3, v44, v43;
	v33 =	vsel vm3, s31, v33;
	v38 =	vsel vm2, v51, v38;
	v44 =	vld.idx.msk [tilespmem:v47+s15+$0x0], $0xffff  }
0x132: {  	v34 =	vsel vm1, s31, v34;
	vm3 =	vgt.f32 v49, v35;
	vm1 =	vgt.f32 v45, v36  }
0x133: {  	vm4 =	vgt.f32 v42, v43;
	v36 =	vsel vm1, v45, v36;
	v45 =	vsel vm1, s26, v34  }
0x134: {  	v41 =	vsel vm2, s31, v41;
	vm1 =	vgt.f32 v37, v38;
	v42 =	vsel vm4, v42, v43;
	v40 =	vld.idx.msk [tilespmem:v40+s15+$0x0], $0xffff  }
0x135: {  	v43 =	vsel vm1, v37, v38;
	vm2 =	vgt.f32 v46, v42;
	vm5 =	vgt.f32 v39, v36;
	v47 =	vld.idx.msk [tilespmem:v54+s15+$0x0], $0xffff  }
0x136: {  	v34 =	vld.idx.msk [tilespmem:v31+s15+$0x0], $0xffff;
	v31 =	vsel vm4, s26, v33;
	vm4 =	vgt.f32 v56, v43;
	v33 =	vsel vm2, v46, v42  }
0x137: {  	v38 =	vsel vm1, s26, v41;
	v39 =	vsel vm5, v39, v36;
	vm1 =	vgt.f32 v44, v33;
	v42 =	vld.idx.msk [tilespmem:v53+s15+$0x0], $0xffff  }
.Ltmp2:
0x138: {  	v37 =	vsel vm3, v49, v35;
	v35 =	vsel vm4, s29, v38;
	v31 =	vsel vm2, s29, v31;
	(pc) =	sbr.rel @p0 .LBB2_6-.Ltmp2, $4  }
0x139: {  	v38 =	vsel vm3, s31, v50;
	v36 =	vsel vm4, v56, v43;
	v33 =	vsel vm1, v44, v33  }
0x13a: {  	v41 =	vsel vm5, s29, v45;
	v43 =	vsel vm1, s25, v31;
	vm2 =	vgt.f32 v40, v36  }
0x13b: {  	v44 =	vsel vm2, v40, v36;
	v45 =	vsel vm2, s25, v35;
	vm2 =	vgt.f32 v47, v33;
	v40 =	vld.idx.msk [tilespmem:v48+s15+$0x0], $0xffff  }
0x13c: {  	vm1 =	vgt.f32 v34, v37;
	v31 =	vsel vm2, v47, v33;
	v33 =	vsel vm2, s24, v43;
	v43 =	vld.idx.msk [tilespmem:v24+s15+$0x0], $0xffff  }
0x13d: {  	_ =	sdelay $0x3  }
0x13e: {  	v24 =	vld.idx.msk [tilespmem:v32+s15+$0x0], $0xffff  }
0x13f: {  	v29 =	vld.idx.msk [tilespmem:v29+s15+$0x0], $0xffff  }
0x140: {  	v27 =	vld.idx.msk [tilespmem:v27+s15+$0x0], $0xffff  }
0x141: {  	vm2 =	vgt.f32 v42, v44;
	v53 =	vor.u32 v1, v30;
	v19 =	vld.idx.msk [tilespmem:v19+s15+$0x0], $0xffff;
	v54 =	vor.u32 v2, v30  }
0x142: {  	v34 =	vsel vm1, v34, v37;
	v57 =	vsel vm1, s26, v38;
	v11 =	vld.idx.msk [tilespmem:v11+s15+$0x0], $0xffff;
	v13 =	vsel vm0, v13, v15  }
0x143: {  	s30 =	simm.s32 $0x5;
	v35 =	vsel vm2, v42, v44;
	v36 =	vsel vm2, s24, v45;
	vm9 =	vgt.f32 v40, v39  }
0x144: {  	v17 =	vld.idx.msk [tilespmem:v17+s15+$0x0], $0xffff;
	v63 =	vmov s30;
	vm3 =	vgt.f32 v43, v35;
	v39 =	vsel vm9, v40, v39  }
0x145: {  	v26 =	vld.idx.msk [tilespmem:v26+s15+$0x0], $0xffff;
	v55 =	vsel vm9, s25, v41;
	v35 =	vsel vm3, v43, v35;
	vm4 =	vgt.f32 v29, v39  }
0x146: {  	v20 =	vld.idx.msk [tilespmem:v20+s15+$0x0], $0xffff;
	v36 =	vsel vm3, s22, v36;
	vm12 =	vgt.f32 v19, v34;
	vm15 =	vgt.f32 v27, v31  }
0x147: {  	v25 =	vld.idx.msk [tilespmem:v25+s15+$0x0], $0xffff;
	vm6 =	vgt.f32 v11, v13;
	vm10 =	vgt.f32 v24, v35;
	v29 =	vsel vm4, v29, v39  }
0x148: {  	v23 =	vld.idx.msk [tilespmem:v23+s15+$0x0], $0xffff;
	v56 =	vsel vm4, s24, v55;
	v58 =	vsel vm12, s29, v57;
	v19 =	vsel vm12, v19, v34  }
0x149: {  	v28 =	vld.idx.msk [tilespmem:v28+s15+$0x0], $0xffff;
	vm12 =	veq.s32 v16, $0x8;
	v11 =	vsel vm6, v11, v13;
	v14 =	vsel vm6, $0x4, v14  }
0x14a: {  	v22 =	vld.idx.msk [tilespmem:v22+s15+$0x0], $0xffff;
	v36 =	vsel vm10, s23, v36;
	vm11 =	vgt.f32 v17, v29;
	v24 =	vsel vm10, v24, v35  }
0x14b: {  	v21 =	vld.idx.msk [tilespmem:v21+s15+$0x0], $0xffff;
	vm14 =	vgt.f32 v20, v19;
	v17 =	vsel vm11, v17, v29;
	v59 =	vsel vm11, s22, v56  }
0x14c: {  	v19 =	vsel vm14, v20, v19;
	vm5 =	vgt.f32 v25, v24;
	v61 =	vsel vm14, s25, v58  }
0x14d: {  	v18 =	vld.idx.msk [tilespmem:v18+s15+$0x0], $0xffff;
	vm13 =	vgt.f32 v26, v17;
	vm8 =	vgt.f32 v23, v19;
	v25 =	vsel vm5, s28, v36  }
0x14e: {  	v17 =	vsel vm13, v26, v17;
	v60 =	vsel vm13, s23, v59;
	v19 =	vsel vm8, v23, v19  }
0x14f: {  	v20 =	vld.idx.msk [tilespmem:v53+s15+$0x0], $0xffff;
	v23 =	vsel vm15, v27, v31;
	vm11 =	veq.s32 v25, v7;
	vm1 =	vgt.f32 v28, v17  }
0x150: {  	v9 =	vld.idx.msk [tilespmem:v9+s15+$0x0], $0xffff;
	v17 =	vsel vm15, s22, v33;
	vm9 =	vgt.f32 v22, v19;
	vm3 =	vgt.f32 v21, v23  }
0x151: {  	vm4 =	vmand vm12, vm11;
	v19 =	vsel vm9, v22, v19;
	v22 =	vsel vm8, s24, v61  }
0x152: {  	v62 =	vld.idx.msk [tilespmem:v54+s15+$0x0], $0xffff;
	v17 =	vsel vm3, s23, v17;
	v16 =	vsel vm4, $0x4, v16;
	vm10 =	vgt.f32 v18, v19  }
0x153: {  	v13 =	vsel vm1, s28, v60;
	v22 =	vsel vm9, s22, v22;
	v18 =	vsel vm10, v18, v19  }
0x154: {  	v10 =	vld.idx.msk [tilespmem:v10+s15+$0x0], $0xffff;
	vm14 =	veq.s32 v16, $0x8;
	v19 =	vsel vm10, s23, v22;
	vm13 =	vgt.f32 v20, v18  }
0x155: {  	s1 =	simm.s32 $0x2;
	vm9 =	vgt.f32 v9, v11;
	vm11 =	veq.s32 v13, v7;
	v18 =	vsel vm13, s28, v19  }
0x156: {  	v13 =	vmov s1;
	v19 =	vsel vm3, v21, v23;
	vm2 =	veq.s32 v18, v7  }
0x157: {  	v12 =	vld.idx.msk [tilespmem:v12+s15+$0x0], $0xffff;
	s31 =	simm.s32 $0x6;
	v9 =	vsel vm9, v9, v11;
	vm15 =	vgt.f32 v62, v19;
	vm5 =	vmand vm2, vm14  }
0x158: {  	v22 =	vmov s31;
	v15 =	vsel vm15, s28, v17;
	v16 =	vsel vm5, $0x5, v16  }
0x159: {  	vm10 =	vgt.f32 v10, v9;
	vm7 =	veq.s32 v15, v7;
	vm8 =	veq.s32 v16, $0x8  }
0x15a: {  	s3 =	simm.s32 $0x3;
	s29 =	simm.s32 $0x4;
	v9 =	vsel vm10, v10, v9;
	v21 =	vshll.u32 v13, $0x3;
	vm0 =	vmand vm7, vm8  }
0x15b: {  	v18 =	vmov s3;
	v19 =	vmov s29;
	v11 =	vsel vm0, $0x6, v16  }
0x15c: {  	vm14 =	vgt.f32 v12, v9;
	s28 =	simm.s32 $0x1;
	v20 =	vshll.u32 v18, $0x3;
	vm12 =	veq.s32 v11, $0x8  }
0x15d: {  	v7 =	vsel vm9, $0x5, v14;
	v12 =	vmov s28;
	vm13 =	vmand vm11, vm12  }
0x15e: {  	v15 =	vand.u32 $0x7B, v18;
	v7 =	vsel vm10, $0x6, v7;
	v10 =	vsel vm13, $0x7, v11  }
0x15f: {  	v18 =	vshll.u32 v63, $0x3;
	v7 =	vsel vm14, $0x7, v7;
	vm15 =	vlt.u32 v10, $0x8  }
0x160: {  	v17 =	vand.u32 $0x79, v12;
	v23 =	vshll.u32 v12, $0x3;
	v11 =	vsel vm15, v10, v7  }
0x161: {  	s0 =	simm.s32 $0x0;
	v12 =	vand.u32 $0x7D, v63;
	v16 =	vand.u32 $0x7A, v13;
	v7 =	vmax.u32 v11, $0x4  }
0x162: {  	v13 =	vand.u32 $0x7C, v19;
	v10 =	vmov s0;
	v7 =	vshll.u32 v7, $0xE  }
0x163: {  	v9 =	vadd.s32 v6, v7;
	v7 =	vand.u32 $0x78, v10;
	v10 =	vshll.u32 v10, $0x3  }
0x164: {  	s1 =	simm.s32 $0x7;
	v19 =	vshll.u32 v19, $0x3;
	s0 =	simm.s32 $0x8;
	v10 =	vand.u32 $0x1C00, v10;
	v14 =	vor.u32 v9, v7  }
.LBB2_8:
0x165: {  	p0 =	slt.u32 s0, $0x3E0;
	v24 =	vand.u32 $0x7E, v22;
	v22 =	vshll.u32 v22, $0x3;
	v25 =	vmov s1  }
0x166: {  	v23 =	vand.u32 $0x1C00, v23;
	v26 =	vand.u32 $0x7F, v25;
	v25 =	vshll.u32 v25, $0x3  }
0x167: {  	v27 =	vor.u32 v9, v17;
	v25 =	vand.u32 $0x1C00, v25;
	v28 =	vor.u32 v9, v26  }
0x168: {  	v21 =	vand.u32 $0x1C00, v21;
	v29 =	vor.u32 v9, v16;
	v28 =	vor.u32 v25, v28  }
0x169: {  	v20 =	vand.u32 $0x1C00, v20;
	v30 =	vor.u32 v9, v15;
	v27 =	vor.u32 v23, v27  }
0x16a: {  	v19 =	vand.u32 $0x1C00, v19;
	v31 =	vor.u32 v9, v13;
	v29 =	vor.u32 v21, v29  }
0x16b: {  	v18 =	vand.u32 $0x1C00, v18;
	v32 =	vor.u32 v9, v12;
	v30 =	vor.u32 v20, v30  }
0x16c: {  	v31 =	vor.u32 v19, v31;
	v22 =	vand.u32 $0x1C00, v22;
	v33 =	vor.u32 v9, v24  }
0x16d: {  	vm0 =	vne.s32 v11, v8;
	v32 =	vor.u32 v18, v32;
	v25 =	vor.u32 v26, v25;
	v28 =	vld.idx.msk [tilespmem:v28+s15+$0x0], $0xffff  }
0x16e: {  	v17 =	vor.u32 v17, v23;
	v23 =	vor.u32 v22, v33;
	v25 =	vor.u32 v0, v25;
	v26 =	vld.idx.msk [tilespmem:v27+s15+$0x0], $0xffff  }
0x16f: {  	v14 =	vor.u32 v10, v14;
	v16 =	vor.u32 v16, v21;
	v17 =	vor.u32 v0, v17;
	v27 =	vld.idx.msk [tilespmem:v29+s15+$0x0], $0xffff  }
0x170: {  	v21 =	vmov s0;
	v15 =	vor.u32 v15, v20;
	v16 =	vor.u32 v0, v16;
	v29 =	vld.idx.msk [tilespmem:v30+s15+$0x0], $0xffff  }
0x171: {  	v13 =	vor.u32 v13, v19;
	v20 =	vand.u32 $0x78, v21;
	v15 =	vor.u32 v0, v15;
	v30 =	vld.idx.msk [tilespmem:v31+s15+$0x0], $0xffff  }
0x172: {  	v12 =	vor.u32 v12, v18;
	v19 =	vshll.u32 v21, $0x3;
	v13 =	vor.u32 v0, v13;
	v31 =	vld.idx.msk [tilespmem:v32+s15+$0x0], $0xffff  }
0x173: {  	s1 =	sadd.s32 $0x1, s0;
	v12 =	vor.u32 v0, v12;
	v21 =	vor.u32 v24, v22;
	v18 =	vld.idx.msk [tilespmem:v23+s15+$0x0], $0xffff;
	[tilespmem:v25+s20+$0x0] =	vst.idx.msk vm0, v28  }
0x174: {  	s3 =	sadd.s32 $0x3, s0;
	v10 =	vor.u32 v7, v10;
	v23 =	vmov s1;
	s1 =	sadd.s32 $0x2, s0;
	v25 =	vor.u32 v0, v21;
	v24 =	vld.idx.msk [tilespmem:v14+s15+$0x0], $0xffff;
	[tilespmem:v17+s20+$0x0] =	vst.idx.msk vm0, v26  }
0x175: {  	s4 =	sadd.s32 $0x6, s0;
	v7 =	vmovc v20;
	v28 =	vor.u32 v0, v10;
	v21 =	vmov s1;
	v26 =	vmov s3;
	s1 =	sadd.s32 $0x4, s0;
	s3 =	sadd.s32 $0x5, s0;
	[tilespmem:v16+s20+$0x0] =	vst.idx.msk vm0, v27  }
.Ltmp3:
0x176: {  	v22 =	vmov s4;
	v27 =	vmov s1;
	v32 =	vmov s3;
	[tilespmem:v15+s20+$0x0] =	vst.idx.msk vm0, v29;
	(pc) =	sbr.rel @p0 .LBB2_8-.Ltmp3, $4  }
0x177: {  	v10 =	vand.u32 $0x1C00, v19;
	v14 =	vor.u32 v9, v7;
	v17 =	vand.u32 $0x79, v23;
	[tilespmem:v13+s20+$0x0] =	vst.idx.msk vm0, v30  }
0x178: {  	v23 =	vshll.u32 v23, $0x3;
	v16 =	vand.u32 $0x7A, v21;
	v21 =	vshll.u32 v21, $0x3;
	[tilespmem:v12+s20+$0x0] =	vst.idx.msk vm0, v31  }
0x179: {  	v20 =	vshll.u32 v26, $0x3;
	v15 =	vand.u32 $0x7B, v26;
	v13 =	vand.u32 $0x7C, v27;
	[tilespmem:v25+s20+$0x0] =	vst.idx.msk vm0, v18  }
0x17a: {  	s1 =	sadd.s32 $0x7, s0;
	s0 =	sadd.s32 $0x8, s0;
	v19 =	vshll.u32 v27, $0x3;
	v12 =	vand.u32 $0x7D, v32;
	v18 =	vshll.u32 v32, $0x3;
	[tilespmem:v28+s20+$0x0] =	vst.idx.msk vm0, v24  }
0x17b: {  	v8 =	vand.u32 $0x7E, v22  }
0x17c: {  	v11 =	vshll.u32 v22, $0x3;
	v50 =	vmov s1;
	v23 =	vand.u32 $0x1C00, v23  }
0x17d: {  	v25 =	vor.u32 v9, v17;
	v21 =	vand.u32 $0x1C00, v21;
	v27 =	vor.u32 v9, v16  }
0x17e: {  	v20 =	vand.u32 $0x1C00, v20;
	v28 =	vor.u32 v9, v15;
	v19 =	vand.u32 $0x1C00, v19  }
0x17f: {  	v29 =	vor.u32 v9, v13;
	v18 =	vand.u32 $0x1C00, v18;
	v14 =	vor.u32 v10, v14  }
0x180: {  	v30 =	vor.u32 v9, v12;
	v7 =	vor.u32 v7, v10;
	v25 =	vor.u32 v23, v25  }
0x181: {  	v24 =	vand.u32 $0x7F, v50;
	v22 =	vshll.u32 v50, $0x3;
	v27 =	vor.u32 v21, v27  }
0x182: {  	v28 =	vor.u32 v20, v28;
	v29 =	vor.u32 v19, v29;
	v11 =	vand.u32 $0x1C00, v11  }
0x183: {  	v51 =	vor.u32 v9, v8;
	v52 =	vor.u32 v18, v30;
	v53 =	vor.u32 v17, v23  }
0x184: {  	v55 =	vor.u32 v16, v21;
	v7 =	vor.u32 v0, v7;
	v22 =	vand.u32 $0x1C00, v22;
	v63 =	vld.idx.msk [tilespmem:v14+s15+$0x0], $0xffff  }
0x185: {  	v26 =	vor.u32 v9, v24;
	v9 =	vor.u32 v11, v51;
	v17 =	vor.u32 v0, v53;
	v54 =	vld.idx.msk [tilespmem:v25+s15+$0x0], $0xffff  }
0x186: {  	v57 =	vor.u32 v15, v20;
	v16 =	vor.u32 v0, v55;
	v26 =	vor.u32 v22, v26;
	v56 =	vld.idx.msk [tilespmem:v27+s15+$0x0], $0xffff  }
0x187: {  	v59 =	vor.u32 v13, v19;
	v15 =	vor.u32 v0, v57;
	v58 =	vld.idx.msk [tilespmem:v28+s15+$0x0], $0xffff  }
0x188: {  	v61 =	vor.u32 v12, v18;
	v13 =	vor.u32 v0, v59;
	v60 =	vld.idx.msk [tilespmem:v29+s15+$0x0], $0xffff  }
0x189: {  	v12 =	vor.u32 v0, v61;
	v8 =	vor.u32 v8, v11;
	v62 =	vld.idx.msk [tilespmem:v52+s15+$0x0], $0xffff;
	[tilespmem:v7+s20+$0x0] =	vst.idx.msk vm0, v63  }
0x18a: {  	v22 =	vor.u32 v24, v22;
	v8 =	vor.u32 v0, v8;
	v9 =	vld.idx.msk [tilespmem:v9+s15+$0x0], $0xffff;
	[tilespmem:v17+s20+$0x0] =	vst.idx.msk vm0, v54  }
0x18b: {  	v22 =	vor.u32 v0, v22;
	v26 =	vld.idx.msk [tilespmem:v26+s15+$0x0], $0xffff;
	[tilespmem:v16+s20+$0x0] =	vst.idx.msk vm0, v56  }
0x18c: {  	[tilespmem:v15+s20+$0x0] =	vst.idx.msk vm0, v58  }
0x18d: {  	[tilespmem:v13+s20+$0x0] =	vst.idx.msk vm0, v60  }
0x18e: {  	s21 =	sadd.s32 $0x1, s21;
	[tilespmem:v12+s20+$0x0] =	vst.idx.msk vm0, v62  }
0x18f: {  	p0 =	sne.s32 s21, s13;
	[tilespmem:v8+s20+$0x0] =	vst.idx.msk vm0, v9  }
.Ltmp4:
0x190: {  	[tilespmem:v22+s20+$0x0] =	vst.idx.msk vm0, v26;
	(pc) =	sbr.rel @p0 .LBB2_1-.Ltmp4, $4  }
0x191: {  	[hbm4b:s12+s2] =	stream.linear.scatter [tilespmem:s20], [sflag:$0x2], $0x4000, $0x38;
	[tilespmem:$0x14080] =	vst v63  }
0x192: {  	_ =	swait.ge [sflag:s14], $0x4000  }
0x193: {  	[sflag:s14] =	ssyncset.done $0x0  }
0x194: {  	[sflag:s14] =	ssyncadd.s32 $0xFFFFC000  }
0x195: {  	_ =	sfence.sel $0x180000  }
0x196: {  	[bflag:$0x0] =	sbarrier.arrive $0xFFFF  }
0x197: {  	_ =	strace $0x90000047  }
0x198: {  	s0 =	stileid.u32;
	[bflag:$0x2] =	sbarrier.arrive $0xFFFF  }
0x199: {  	p0 =	sne.s32 s0, $0x0;
	s0 =	rddreg [dreg:$0x3]  }
0x19a: {  	s0 =	sadd.s32 @!p0 $0x100000, s0  }
0x19b: {  	[sflag:s0] =	ssyncadd.tile.s32 @!p0 $0x1;
	_ =	shalt  }
.Lfunc_end2:
_tile_overlayer_lowered:
.L_overlay_start_2:
0x19c: {  	(tag) =	ssettag $0x2  }
0x19d: {  	s0 =	rddreg [dreg:$0x0];
	s2 =	stileid.u32  }
0x19e: {  	s1 =	rddreg [dreg:$0x1];
	p0 =	sne.s32 s2, $0x0  }
0x19f: {  	s3 =	rddreg [dreg:$0x2];
	[bflag:$0x3] =	sbarrier.arrive $0xFFFF;
	s2 =	simm.s32 @!p0 $0x1C02  }
0x1a0: {  	[timem:s3], [sflag:s2] =	dma.local @!p0 [hbm:s0], s1  }
0x1a1: {  	s0 =	simm.s32 @!p0 $0x2  }
0x1a2: {  	_ =	swait.ge @!p0 [sflag:s0], s1  }
0x1a3: {  	s1 =	ssub.s32 @!p0 $0x0, s1;
	[sflag:s0] =	ssyncset.done @!p0 $0x0  }
0x1a4: {  	[sflag:s0] =	ssyncadd.s32 @!p0 s1  }
0x1a5: {  	[bflag:$0x3] =	sbarrier.arrive $0xFFFF  }
0x1a6: {  	_ =	shalt  }

</sc_bundles>
